<compile_context>
chip_gen: v7x
topology: tpu7x:2x2x1
jax: 0.10.2.dev20260603
libtpu: 0.0.44.dev20260713+nightly
codegen_flags: <defaults>
</compile_context>

<pallas_src>
import functools

import jax
import jax.numpy as jnp
import numpy as np
import ml_dtypes
from jax import lax
from jax.experimental import pallas as pl
from jax.experimental.pallas import tpu as pltpu
from jax.experimental.pallas import tpu_sc as plsc


_L = 3000
_PATCH = 75
_NP_ = _L // _PATCH
_KC = _L // 2 + 1
_KPAD = 1536
_DPAD = 48
_TW = 128
_VROWS = 1504
_NC, _NS = 2, 16
_NW = _NC * _NS


def _patch_hits_table(L, patch_size, num_patches):
    freqs = np.fft.fftfreq(L)
    with np.errstate(divide="ignore"):
        periods = np.abs(1.0 / freqs)
    periods[np.isinf(periods)] = 0
    hits = np.zeros((L, num_patches), dtype=bool)
    for k in range(L):
        p = periods[k]
        if p == 0:
            continue
        interval = int(p)
        peaks = np.arange(0, L, interval)
        pidx = np.floor(peaks / patch_size).astype(np.int64)
        pidx = np.unique(pidx[pidx < num_patches])
        hits[k, pidx] = True
    return hits


_HL = _L // 2
_JP = 768


@functools.lru_cache(maxsize=1)
def _constants():
    def halfmat(ks):
        t = np.arange(_HL, dtype=np.int64)
        ang = (2.0 * np.pi / _L) * ((t[:, None] * ks[None, :]) % _L).astype(np.float64)
        cm = np.zeros((_HL, 2 * _JP))
        cm[:, : len(ks)] = np.cos(ang)
        cm[:, _JP : _JP + len(ks)] = np.sin(ang)
        return cm.astype(np.float32)

    me = halfmat(np.arange(0, _KC, 2, dtype=np.int64))
    mo = halfmat(np.arange(1, _KC, 2, dtype=np.int64))
    me_hi = me.astype(ml_dtypes.bfloat16)
    me_lo = (me - me_hi.astype(np.float32)).astype(ml_dtypes.bfloat16)
    mo_hi = mo.astype(ml_dtypes.bfloat16)
    mo_lo = (mo - mo_hi.astype(np.float32)).astype(ml_dtypes.bfloat16)
    hits = _patch_hits_table(_L, _PATCH, _NP_)[:_KC]
    table = np.zeros((_VROWS, _TW), dtype=np.float32)
    table[:_KC, :_NP_] = hits.astype(np.float32)
    return me_hi, me_lo, mo_hi, mo_lo, table


def _dot3(a, b_hi_ref, b_lo_ref):
    ah = a.astype(jnp.bfloat16)
    al = (a - ah.astype(jnp.float32)).astype(jnp.bfloat16)
    return (jnp.dot(ah, b_hi_ref[...], preferred_element_type=jnp.float32)
            + jnp.dot(ah, b_lo_ref[...], preferred_element_type=jnp.float32)
            + jnp.dot(al, b_hi_ref[...], preferred_element_type=jnp.float32))


def _tc_body(x_ref, meh_ref, mel_ref, moh_ref, mol_ref, sel_ref):
    for half in range(2):
        hm = _MBLK // 2
        _half_chain(x_ref[pl.ds(half * hm, hm), :],
                    meh_ref, mel_ref, moh_ref, mol_ref, sel_ref, half * hm)


def _half_chain(xb, meh_ref, mel_ref, moh_ref, mol_ref, sel_ref, row0):
    _M = xb.shape[0]
    xp = xb[:, :_HL]
    xq = xb[:, _HL:]
    p = xp + xq
    m = xp - xq
    ze = _dot3(p, meh_ref, mel_ref)
    zo = _dot3(m, moh_ref, mol_ref)
    ee = ze[:, :_JP] * ze[:, :_JP] + ze[:, _JP:] * ze[:, _JP:]
    eo = zo[:, :_JP] * zo[:, :_JP] + zo[:, _JP:] * zo[:, _JP:]
    jiota = jax.lax.broadcasted_iota(jnp.int32, (_M, _JP), 1)
    be = jax.lax.bitcast_convert_type(ee, jnp.int32)
    bo = jax.lax.bitcast_convert_type(eo, jnp.int32)
    key_e = jnp.where(jiota <= 750, (be & jnp.int32(-4096)) | (4095 - 2 * jiota),
                      jnp.int32(-2))
    key_o = jnp.where(jiota <= 749,
                      (bo & jnp.int32(-4096)) | (4095 - (2 * jiota + 1)),
                      jnp.int32(-2))
    key = jnp.concatenate([key_e, key_o], axis=1)

    idxs, mults = [], []
    for _ in range(4):
        mx = jnp.max(key, axis=1, keepdims=True)
        key = jnp.where(key == mx, jnp.int32(-1), key)
        ij = 4095 - (mx & jnp.int32(4095))
        idxs.append(ij)
        mults.append(jnp.where((ij == 0) | (ij == _L // 2), 1, 2).astype(jnp.int32))

    c0 = jnp.zeros_like(mults[0])
    c1 = mults[0]
    c2 = c1 + mults[1]
    c3 = c2 + mults[2]
    starts = [c0, c1, c2, c3]

    picks = []
    for p in (1, 3, 5):
        picks.append(sum(
            idxs[j] * ((starts[j] <= p) & (p < starts[j] + mults[j])).astype(jnp.int32)
            for j in range(4)
        ))

    jiota = jax.lax.broadcasted_iota(jnp.int32, (_M, 3), 1)
    selblk = jnp.where(jiota == 0, picks[0],
                       jnp.where(jiota == 1, picks[1], picks[2]))
    sel_ref[:, pl.ds(row0, _M)] = selblk.T


_MBLK = 512


def _tc_select(x, me_hi, me_lo, mo_hi, mo_lo):
    B, N, L = x.shape
    x2 = x.reshape(B * N, L)
    mat_spec = pl.BlockSpec((_HL, 2 * _JP), lambda b: (0, 0))
    return pl.pallas_call(
        _tc_body,
        grid=(B * N // _MBLK,),
        in_specs=[
            pl.BlockSpec((_MBLK, L), lambda b: (b, 0)),
            mat_spec, mat_spec, mat_spec, mat_spec,
        ],
        out_specs=pl.BlockSpec((3, _MBLK), lambda b: (0, b)),
        out_shape=jax.ShapeDtypeStruct((3, B * N), jnp.int32),
    )(x2, me_hi, me_lo, mo_hi, mo_lo)


def _sc_accum_body(sel_hbm, table_hbm, wvec_hbm, out_hbm, idx_v, rows_v, acc_v, wv_v, sem):
    wid = lax.axis_index("s") * _NC + lax.axis_index("c")
    pltpu.sync_copy(sel_hbm.at[:, pl.ds(wid * 128, 128)], idx_v)
    cps = [
        pltpu.async_copy(table_hbm.at[idx_v.at[j]], rows_v.at[pl.ds(j * 128, 128)], sem)
        for j in range(3)
    ]
    for cp in cps:
        cp.wait()
    pltpu.sync_copy(wvec_hbm, wv_v)

    def body(g, carry):
        r0 = g * 8
        for u in range(8):
            carry = tuple(
                carry[c] + rows_v[r0 + u, pl.ds(16 * c, 16)] for c in range(3)
            )
        return carry

    z16 = jnp.zeros((16,), jnp.float32)
    acc = lax.fori_loop(0, 48, body, (z16, z16, z16))
    w16 = wv_v[...]
    for c in range(3):
        acc_v[pl.ds(16 * c, 16)] = acc[c] * w16
    pltpu.sync_copy(acc_v, out_hbm.at[wid])


@functools.lru_cache(maxsize=1)
def _sc_accum():
    mesh = plsc.VectorSubcoreMesh(
        core_axis_name="c", subcore_axis_name="s", num_cores=_NC, num_subcores=_NS
    )
    return pl.kernel(
        _sc_accum_body,
        out_type=jax.ShapeDtypeStruct((_NW, _DPAD), jnp.float32),
        mesh=mesh,
        scratch_types=[
            pltpu.VMEM((3, 128), jnp.int32),
            pltpu.VMEM((384, _TW), jnp.float32),
            pltpu.VMEM((_DPAD,), jnp.float32),
            pltpu.VMEM((16,), jnp.float32),
            pltpu.SemaphoreType.DMA,
        ],
    )


def kernel(x, weights):
    B, N, L = x.shape
    me_hi, me_lo, mo_hi, mo_lo, table = _constants()
    sel = _tc_select(x, jnp.asarray(me_hi), jnp.asarray(me_lo),
                     jnp.asarray(mo_hi), jnp.asarray(mo_lo))
    wvec = jnp.full((16,), weights, jnp.float32)
    out48 = _sc_accum()(sel, jnp.asarray(table), wvec)
    return out48[:, :_NP_]

# --- scband reference (transcript-rebuilt; emitter-appended) ---
"""Pipeline reference for scband-time-series-weighting-30116310679938 (READ-ONLY COPY).

The authoritative reference and input builder live on the scoring server;
editing this copy changes nothing except your own understanding.
"""

import jax, jax.numpy as jnp
import numpy as np


def setup_inputs(seed: int = 0) -> dict:
    key = jax.random.key(seed)
    k1, k2 = jax.random.split(key)
    x = jax.random.normal(k1, (32, 128, 3000), dtype=jnp.float32)
    # learned scalar parameter: sigmoid of a standard-normal sample
    weights = jax.nn.sigmoid(jax.random.normal(k2, (), dtype=jnp.float32))
    return {"x": x, "weights": weights}


def _compute_patch_hits(L, patch_size, num_patches):
    freqs = np.fft.fftfreq(L)
    with np.errstate(divide='ignore'):
        periods = np.abs(1.0 / freqs)
    periods[np.isinf(periods)] = 0
    hits = np.zeros((L, num_patches), dtype=bool)
    for k in range(L):
        p = periods[k]
        if p == 0:
            continue
        ideal_peak_interval = int(p)
        peaks = np.arange(0, L, ideal_peak_interval)
        patch_indices = np.floor(peaks / patch_size).astype(np.int64)
        patch_indices = patch_indices[patch_indices < num_patches]
        # torch `t[b, idx] += w` writes duplicate indices only once per statement
        patch_indices = np.unique(patch_indices)
        hits[k, patch_indices] = True
    return hits


def reference(x, weights):
    B, N, L = x.shape
    patch_size = 75
    num_patches = L // patch_size
    # x is detached in the torch module before the FFT/peak analysis
    X_fft = jnp.fft.fft(jax.lax.stop_gradient(x), axis=2)
    X_fft_energy = jnp.abs(X_fft) ** 2
    top6 = jnp.argsort(X_fft_energy, axis=2)[:, :, -6:]
    sel = top6[:, :, ::2]
    hits_j = jnp.asarray(_compute_patch_hits(L, patch_size, num_patches))
    hit = hits_j[sel]
    rows_j = jnp.broadcast_to(
        jnp.arange(B)[:, None, None, None], hit.shape
    ).reshape(-1)
    patch_ids = jnp.broadcast_to(
        jnp.arange(num_patches)[None, None, None, :], hit.shape
    )
    cols_j = jnp.where(hit, patch_ids, num_patches).reshape(-1)
    weighted_x = jnp.zeros((B, num_patches), dtype=jnp.float32)
    weighted_x = weighted_x.at[rows_j, cols_j].add(weights)
    return weighted_x

if __name__ == "__main__":
    import jax
    _d = setup_inputs()
    print(jax.jit(kernel)(*tuple(_d.values())))

</pallas_src>

<mosaic_0001>
#map = affine_map<(d0, d1) -> (0, 0)>
#map1 = affine_map<(d0, d1) -> (0)>
module attributes {stable_mosaic.version = 14 : i64} {
  func.func @_sc_accum_body(%arg0: i32, %arg1: i32, %arg2: memref<3x4096xi32, #tpu.memory_space<hbm>>, %arg3: memref<1504x128xf32, #tpu.memory_space<hbm>>, %arg4: memref<16xf32, #tpu.memory_space<hbm>>, %arg5: memref<32x48xf32, #tpu.memory_space<hbm>>, %arg6: memref<3x128xi32, #tpu.memory_space<vmem>>, %arg7: memref<384x128xf32, #tpu.memory_space<vmem>>, %arg8: memref<48xf32, #tpu.memory_space<vmem>>, %arg9: memref<16xf32, #tpu.memory_space<vmem>>, %arg10: memref<!tpu.dma_semaphore, #tpu.memory_space<semaphore_mem>>) attributes {dimension_semantics = [#tpu.dimension_semantics<core_parallel>, #tpu.dimension_semantics<subcore_parallel>], iteration_bounds = array<i64: 2, 16>, scalar_prefetch = 0 : i64, scratch_operands = 5 : i64, tpu.core_type = #tpu.core_type<sc_vector_subcore>, window_params = [{transform_indices = #map}, {transform_indices = #map}, {transform_indices = #map1}, {transform_indices = #map}]} {
    %mul3A = arith.constant 2 : i32
    %mul3A_0 = arith.muli %arg1, %mul3A : i32
    %add3A = arith.addi %mul3A_0, %arg0 : i32
    %mul3A_1 = arith.constant 128 : i32
    %mul3A_2 = arith.muli %add3A, %mul3A_1 : i32
    "tpu.region"() ({
      %run_scoped3A = tpu.sem_alloc : memref<!tpu.dma_semaphore, #tpu.memory_space<semaphore_mem>>
      %dma_start3A_83 = arith.constant 0 : i32
      %dma_start3A_84 = tpu.memref_slice %arg2[%dma_start3A_83, %mul3A_2] : memref<3x4096xi32, #tpu.memory_space<hbm>> -> memref<3x128xi32, #tpu.memory_space<hbm>>
      %dma_start3A_85 = arith.constant 0 : i32
      %dma_start3A_86 = tpu.memref_slice %arg2[%dma_start3A_85, %mul3A_2] : memref<3x4096xi32, #tpu.memory_space<hbm>> -> memref<3x128xi32, #tpu.memory_space<hbm>>
      tpu.enqueue_dma source(%dma_start3A_86 : memref<3x128xi32, #tpu.memory_space<hbm>>) target(%arg6 : memref<3x128xi32, #tpu.memory_space<vmem>>) target_semaphore(%run_scoped3A : memref<!tpu.dma_semaphore, #tpu.memory_space<semaphore_mem>>)
      %dma_wait3A_87 = arith.constant 0 : i32
      %dma_wait3A_88 = tpu.memref_slice %arg2[%dma_wait3A_87, %mul3A_2] : memref<3x4096xi32, #tpu.memory_space<hbm>> -> memref<3x128xi32, #tpu.memory_space<hbm>>
      %dma_wait3A_89 = arith.constant 0 : i32
      %dma_wait3A_90 = tpu.memref_slice %arg2[%dma_wait3A_89, %mul3A_2] : memref<3x4096xi32, #tpu.memory_space<hbm>> -> memref<3x128xi32, #tpu.memory_space<hbm>>
      tpu.wait_dma2 semaphore(%run_scoped3A : memref<!tpu.dma_semaphore, #tpu.memory_space<semaphore_mem>>) src(%dma_wait3A_90 : memref<3x128xi32, #tpu.memory_space<hbm>>) dst(%arg6 : memref<3x128xi32, #tpu.memory_space<vmem>>)
      tpu.yield
    }) : () -> ()
    %dma_start3A = arith.constant 0 : i32
    %dma_start3A_3 = arith.constant 0 : i32
    %dma_start3A_4 = arith.constant 0 : i32
    %dma_start3A_5 = tpu.memref_slice %arg7[%dma_start3A_3, %dma_start3A_4] : memref<384x128xf32, #tpu.memory_space<vmem>> -> memref<128x128xf32, #tpu.memory_space<vmem>>
    %dma_start3A_6 = arith.constant 0 : i32
    %dma_start3A_7 = tpu.memref_slice %arg6[%dma_start3A, %dma_start3A_6] : memref<3x128xi32, #tpu.memory_space<vmem>> -> memref<1x128xi32, #tpu.memory_space<vmem>>
    %dma_start3A_8 = tpu.memref_squeeze %dma_start3A_7 : memref<1x128xi32, #tpu.memory_space<vmem>> -> memref<128xi32, #tpu.memory_space<vmem>>
    %dma_start3A_9 = arith.constant 0 : i32
    %dma_start3A_10 = arith.constant 0 : i32
    %dma_start3A_11 = tpu.memref_slice %arg3[%dma_start3A_9, %dma_start3A_10] : memref<1504x128xf32, #tpu.memory_space<hbm>> -> memref<1504x128xf32, #tpu.memory_space<hbm>>
    tpu.enqueue_indirect_dma source(%dma_start3A_11 : memref<1504x128xf32, #tpu.memory_space<hbm>>) target(%dma_start3A_5 : memref<128x128xf32, #tpu.memory_space<vmem>>) offsets(%dma_start3A_8 : memref<128xi32, #tpu.memory_space<vmem>>) semaphore(%arg10 : memref<!tpu.dma_semaphore, #tpu.memory_space<semaphore_mem>>)
    %dma_start3A_12 = arith.constant 1 : i32
    %dma_start3A_13 = arith.constant 128 : i32
    %dma_start3A_14 = arith.constant 0 : i32
    %dma_start3A_15 = tpu.memref_slice %arg7[%dma_start3A_13, %dma_start3A_14] : memref<384x128xf32, #tpu.memory_space<vmem>> -> memref<128x128xf32, #tpu.memory_space<vmem>>
    %dma_start3A_16 = arith.constant 0 : i32
    %dma_start3A_17 = tpu.memref_slice %arg6[%dma_start3A_12, %dma_start3A_16] : memref<3x128xi32, #tpu.memory_space<vmem>> -> memref<1x128xi32, #tpu.memory_space<vmem>>
    %dma_start3A_18 = tpu.memref_squeeze %dma_start3A_17 : memref<1x128xi32, #tpu.memory_space<vmem>> -> memref<128xi32, #tpu.memory_space<vmem>>
    %dma_start3A_19 = arith.constant 0 : i32
    %dma_start3A_20 = arith.constant 0 : i32
    %dma_start3A_21 = tpu.memref_slice %arg3[%dma_start3A_19, %dma_start3A_20] : memref<1504x128xf32, #tpu.memory_space<hbm>> -> memref<1504x128xf32, #tpu.memory_space<hbm>>
    tpu.enqueue_indirect_dma source(%dma_start3A_21 : memref<1504x128xf32, #tpu.memory_space<hbm>>) target(%dma_start3A_15 : memref<128x128xf32, #tpu.memory_space<vmem>>) offsets(%dma_start3A_18 : memref<128xi32, #tpu.memory_space<vmem>>) semaphore(%arg10 : memref<!tpu.dma_semaphore, #tpu.memory_space<semaphore_mem>>)
    %dma_start3A_22 = arith.constant 2 : i32
    %dma_start3A_23 = arith.constant 256 : i32
    %dma_start3A_24 = arith.constant 0 : i32
    %dma_start3A_25 = tpu.memref_slice %arg7[%dma_start3A_23, %dma_start3A_24] : memref<384x128xf32, #tpu.memory_space<vmem>> -> memref<128x128xf32, #tpu.memory_space<vmem>>
    %dma_start3A_26 = arith.constant 0 : i32
    %dma_start3A_27 = tpu.memref_slice %arg6[%dma_start3A_22, %dma_start3A_26] : memref<3x128xi32, #tpu.memory_space<vmem>> -> memref<1x128xi32, #tpu.memory_space<vmem>>
    %dma_start3A_28 = tpu.memref_squeeze %dma_start3A_27 : memref<1x128xi32, #tpu.memory_space<vmem>> -> memref<128xi32, #tpu.memory_space<vmem>>
    %dma_start3A_29 = arith.constant 0 : i32
    %dma_start3A_30 = arith.constant 0 : i32
    %dma_start3A_31 = tpu.memref_slice %arg3[%dma_start3A_29, %dma_start3A_30] : memref<1504x128xf32, #tpu.memory_space<hbm>> -> memref<1504x128xf32, #tpu.memory_space<hbm>>
    tpu.enqueue_indirect_dma source(%dma_start3A_31 : memref<1504x128xf32, #tpu.memory_space<hbm>>) target(%dma_start3A_25 : memref<128x128xf32, #tpu.memory_space<vmem>>) offsets(%dma_start3A_28 : memref<128xi32, #tpu.memory_space<vmem>>) semaphore(%arg10 : memref<!tpu.dma_semaphore, #tpu.memory_space<semaphore_mem>>)
    %dma_wait3A = arith.constant 0 : i32
    %dma_wait3A_32 = arith.constant 0 : i32
    %dma_wait3A_33 = arith.constant 0 : i32
    %dma_wait3A_34 = tpu.memref_slice %arg7[%dma_wait3A_32, %dma_wait3A_33] : memref<384x128xf32, #tpu.memory_space<vmem>> -> memref<128x128xf32, #tpu.memory_space<vmem>>
    %dma_wait3A_35 = arith.constant 0 : i32
    %dma_wait3A_36 = tpu.memref_slice %arg6[%dma_wait3A, %dma_wait3A_35] : memref<3x128xi32, #tpu.memory_space<vmem>> -> memref<1x128xi32, #tpu.memory_space<vmem>>
    %dma_wait3A_37 = tpu.memref_squeeze %dma_wait3A_36 : memref<1x128xi32, #tpu.memory_space<vmem>> -> memref<128xi32, #tpu.memory_space<vmem>>
    %dma_wait3A_38 = arith.constant 0 : i32
    %dma_wait3A_39 = arith.constant 0 : i32
    %dma_wait3A_40 = tpu.memref_slice %arg3[%dma_wait3A_38, %dma_wait3A_39] : memref<1504x128xf32, #tpu.memory_space<hbm>> -> memref<1504x128xf32, #tpu.memory_space<hbm>>
    tpu.wait_indirect_dma semaphore(%arg10 : memref<!tpu.dma_semaphore, #tpu.memory_space<semaphore_mem>>) src(%dma_wait3A_40 : memref<1504x128xf32, #tpu.memory_space<hbm>>) dst(%dma_wait3A_34 : memref<128x128xf32, #tpu.memory_space<vmem>>)
    %dma_wait3A_41 = arith.constant 1 : i32
    %dma_wait3A_42 = arith.constant 128 : i32
    %dma_wait3A_43 = arith.constant 0 : i32
    %dma_wait3A_44 = tpu.memref_slice %arg7[%dma_wait3A_42, %dma_wait3A_43] : memref<384x128xf32, #tpu.memory_space<vmem>> -> memref<128x128xf32, #tpu.memory_space<vmem>>
    %dma_wait3A_45 = arith.constant 0 : i32
    %dma_wait3A_46 = tpu.memref_slice %arg6[%dma_wait3A_41, %dma_wait3A_45] : memref<3x128xi32, #tpu.memory_space<vmem>> -> memref<1x128xi32, #tpu.memory_space<vmem>>
    %dma_wait3A_47 = tpu.memref_squeeze %dma_wait3A_46 : memref<1x128xi32, #tpu.memory_space<vmem>> -> memref<128xi32, #tpu.memory_space<vmem>>
    %dma_wait3A_48 = arith.constant 0 : i32
    %dma_wait3A_49 = arith.constant 0 : i32
    %dma_wait3A_50 = tpu.memref_slice %arg3[%dma_wait3A_48, %dma_wait3A_49] : memref<1504x128xf32, #tpu.memory_space<hbm>> -> memref<1504x128xf32, #tpu.memory_space<hbm>>
    tpu.wait_indirect_dma semaphore(%arg10 : memref<!tpu.dma_semaphore, #tpu.memory_space<semaphore_mem>>) src(%dma_wait3A_50 : memref<1504x128xf32, #tpu.memory_space<hbm>>) dst(%dma_wait3A_44 : memref<128x128xf32, #tpu.memory_space<vmem>>)
    %dma_wait3A_51 = arith.constant 2 : i32
    %dma_wait3A_52 = arith.constant 256 : i32
    %dma_wait3A_53 = arith.constant 0 : i32
    %dma_wait3A_54 = tpu.memref_slice %arg7[%dma_wait3A_52, %dma_wait3A_53] : memref<384x128xf32, #tpu.memory_space<vmem>> -> memref<128x128xf32, #tpu.memory_space<vmem>>
    %dma_wait3A_55 = arith.constant 0 : i32
    %dma_wait3A_56 = tpu.memref_slice %arg6[%dma_wait3A_51, %dma_wait3A_55] : memref<3x128xi32, #tpu.memory_space<vmem>> -> memref<1x128xi32, #tpu.memory_space<vmem>>
    %dma_wait3A_57 = tpu.memref_squeeze %dma_wait3A_56 : memref<1x128xi32, #tpu.memory_space<vmem>> -> memref<128xi32, #tpu.memory_space<vmem>>
    %dma_wait3A_58 = arith.constant 0 : i32
    %dma_wait3A_59 = arith.constant 0 : i32
    %dma_wait3A_60 = tpu.memref_slice %arg3[%dma_wait3A_58, %dma_wait3A_59] : memref<1504x128xf32, #tpu.memory_space<hbm>> -> memref<1504x128xf32, #tpu.memory_space<hbm>>
    tpu.wait_indirect_dma semaphore(%arg10 : memref<!tpu.dma_semaphore, #tpu.memory_space<semaphore_mem>>) src(%dma_wait3A_60 : memref<1504x128xf32, #tpu.memory_space<hbm>>) dst(%dma_wait3A_54 : memref<128x128xf32, #tpu.memory_space<vmem>>)
    "tpu.region"() ({
      %run_scoped3A = tpu.sem_alloc : memref<!tpu.dma_semaphore, #tpu.memory_space<semaphore_mem>>
      tpu.enqueue_dma source(%arg4 : memref<16xf32, #tpu.memory_space<hbm>>) target(%arg9 : memref<16xf32, #tpu.memory_space<vmem>>) target_semaphore(%run_scoped3A : memref<!tpu.dma_semaphore, #tpu.memory_space<semaphore_mem>>)
      tpu.wait_dma2 semaphore(%run_scoped3A : memref<!tpu.dma_semaphore, #tpu.memory_space<semaphore_mem>>) src(%arg4 : memref<16xf32, #tpu.memory_space<hbm>>) dst(%arg9 : memref<16xf32, #tpu.memory_space<vmem>>)
      tpu.yield
    }) : () -> ()
    %broadcast_in_dim3A = arith.constant 0.000000e+00 : f32
    %broadcast_in_dim3A_61 = vector.broadcast %broadcast_in_dim3A : f32 to vector<16xf32>
    %scan3A = arith.constant 0 : i32
    %scan3A_62 = arith.constant 48 : i32
    %scan3A_63 = arith.addi %scan3A, %scan3A_62 : i32
    %scan3A_64 = arith.constant 1 : i32
    %scan3A_65:3 = scf.for %scan3A_83 = %scan3A to %scan3A_63 step %scan3A_64 iter_args(%scan3A_84 = %broadcast_in_dim3A_61, %scan3A_85 = %broadcast_in_dim3A_61, %scan3A_86 = %broadcast_in_dim3A_61) -> (vector<16xf32>, vector<16xf32>, vector<16xf32>)  : i32 {
      %mul3A_87 = arith.constant 8 : i32
      %mul3A_88 = arith.muli %scan3A_83, %mul3A_87 : i32
      %add3A_89 = arith.constant 0 : i32
      %add3A_90 = arith.addi %mul3A_88, %add3A_89 : i32
      %get3A_91 = arith.index_cast %add3A_90 : i32 to index
      %get3A_92 = arith.constant 0 : index
      %get3A_93 = tpu.vector_load %arg7[%get3A_91, %get3A_92] {strides = array<i32>} : memref<384x128xf32, #tpu.memory_space<vmem>>, vector<1x16xf32>,
      %get3A_94 = vector.shape_cast %get3A_93 : vector<1x16xf32> to vector<16xf32>
      %add3A_95 = arith.addf %scan3A_84, %get3A_94 : vector<16xf32>
      %add3A_96 = arith.constant 0 : i32
      %add3A_97 = arith.addi %mul3A_88, %add3A_96 : i32
      %get3A_98 = arith.index_cast %add3A_97 : i32 to index
      %get3A_99 = arith.constant 16 : index
      %get3A_100 = tpu.vector_load %arg7[%get3A_98, %get3A_99] {strides = array<i32>} : memref<384x128xf32, #tpu.memory_space<vmem>>, vector<1x16xf32>,
      %get3A_101 = vector.shape_cast %get3A_100 : vector<1x16xf32> to vector<16xf32>
      %add3A_102 = arith.addf %scan3A_85, %get3A_101 : vector<16xf32>
      %add3A_103 = arith.constant 0 : i32
      %add3A_104 = arith.addi %mul3A_88, %add3A_103 : i32
      %get3A_105 = arith.index_cast %add3A_104 : i32 to index
      %get3A_106 = arith.constant 32 : index
      %get3A_107 = tpu.vector_load %arg7[%get3A_105, %get3A_106] {strides = array<i32>} : memref<384x128xf32, #tpu.memory_space<vmem>>, vector<1x16xf32>,
      %get3A_108 = vector.shape_cast %get3A_107 : vector<1x16xf32> to vector<16xf32>
      %add3A_109 = arith.addf %scan3A_86, %get3A_108 : vector<16xf32>
      %add3A_110 = arith.constant 1 : i32
      %add3A_111 = arith.addi %mul3A_88, %add3A_110 : i32
      %get3A_112 = arith.index_cast %add3A_111 : i32 to index
      %get3A_113 = arith.constant 0 : index
      %get3A_114 = tpu.vector_load %arg7[%get3A_112, %get3A_113] {strides = array<i32>} : memref<384x128xf32, #tpu.memory_space<vmem>>, vector<1x16xf32>,
      %get3A_115 = vector.shape_cast %get3A_114 : vector<1x16xf32> to vector<16xf32>
      %add3A_116 = arith.addf %add3A_95, %get3A_115 : vector<16xf32>
      %add3A_117 = arith.constant 1 : i32
      %add3A_118 = arith.addi %mul3A_88, %add3A_117 : i32
      %get3A_119 = arith.index_cast %add3A_118 : i32 to index
      %get3A_120 = arith.constant 16 : index
      %get3A_121 = tpu.vector_load %arg7[%get3A_119, %get3A_120] {strides = array<i32>} : memref<384x128xf32, #tpu.memory_space<vmem>>, vector<1x16xf32>,
      %get3A_122 = vector.shape_cast %get3A_121 : vector<1x16xf32> to vector<16xf32>
      %add3A_123 = arith.addf %add3A_102, %get3A_122 : vector<16xf32>
      %add3A_124 = arith.constant 1 : i32
      %add3A_125 = arith.addi %mul3A_88, %add3A_124 : i32
      %get3A_126 = arith.index_cast %add3A_125 : i32 to index
      %get3A_127 = arith.constant 32 : index
      %get3A_128 = tpu.vector_load %arg7[%get3A_126, %get3A_127] {strides = array<i32>} : memref<384x128xf32, #tpu.memory_space<vmem>>, vector<1x16xf32>,
      %get3A_129 = vector.shape_cast %get3A_128 : vector<1x16xf32> to vector<16xf32>
      %add3A_130 = arith.addf %add3A_109, %get3A_129 : vector<16xf32>
      %add3A_131 = arith.constant 2 : i32
      %add3A_132 = arith.addi %mul3A_88, %add3A_131 : i32
      %get3A_133 = arith.index_cast %add3A_132 : i32 to index
      %get3A_134 = arith.constant 0 : index
      %get3A_135 = tpu.vector_load %arg7[%get3A_133, %get3A_134] {strides = array<i32>} : memref<384x128xf32, #tpu.memory_space<vmem>>, vector<1x16xf32>,
      %get3A_136 = vector.shape_cast %get3A_135 : vector<1x16xf32> to vector<16xf32>
      %add3A_137 = arith.addf %add3A_116, %get3A_136 : vector<16xf32>
      %add3A_138 = arith.constant 2 : i32
      %add3A_139 = arith.addi %mul3A_88, %add3A_138 : i32
      %get3A_140 = arith.index_cast %add3A_139 : i32 to index
      %get3A_141 = arith.constant 16 : index
      %get3A_142 = tpu.vector_load %arg7[%get3A_140, %get3A_141] {strides = array<i32>} : memref<384x128xf32, #tpu.memory_space<vmem>>, vector<1x16xf32>,
      %get3A_143 = vector.shape_cast %get3A_142 : vector<1x16xf32> to vector<16xf32>
      %add3A_144 = arith.addf %add3A_123, %get3A_143 : vector<16xf32>
      %add3A_145 = arith.constant 2 : i32
      %add3A_146 = arith.addi %mul3A_88, %add3A_145 : i32
      %get3A_147 = arith.index_cast %add3A_146 : i32 to index
      %get3A_148 = arith.constant 32 : index
      %get3A_149 = tpu.vector_load %arg7[%get3A_147, %get3A_148] {strides = array<i32>} : memref<384x128xf32, #tpu.memory_space<vmem>>, vector<1x16xf32>,
      %get3A_150 = vector.shape_cast %get3A_149 : vector<1x16xf32> to vector<16xf32>
      %add3A_151 = arith.addf %add3A_130, %get3A_150 : vector<16xf32>
      %add3A_152 = arith.constant 3 : i32
      %add3A_153 = arith.addi %mul3A_88, %add3A_152 : i32
      %get3A_154 = arith.index_cast %add3A_153 : i32 to index
      %get3A_155 = arith.constant 0 : index
      %get3A_156 = tpu.vector_load %arg7[%get3A_154, %get3A_155] {strides = array<i32>} : memref<384x128xf32, #tpu.memory_space<vmem>>, vector<1x16xf32>,
      %get3A_157 = vector.shape_cast %get3A_156 : vector<1x16xf32> to vector<16xf32>
      %add3A_158 = arith.addf %add3A_137, %get3A_157 : vector<16xf32>
      %add3A_159 = arith.constant 3 : i32
      %add3A_160 = arith.addi %mul3A_88, %add3A_159 : i32
      %get3A_161 = arith.index_cast %add3A_160 : i32 to index
      %get3A_162 = arith.constant 16 : index
      %get3A_163 = tpu.vector_load %arg7[%get3A_161, %get3A_162] {strides = array<i32>} : memref<384x128xf32, #tpu.memory_space<vmem>>, vector<1x16xf32>,
      %get3A_164 = vector.shape_cast %get3A_163 : vector<1x16xf32> to vector<16xf32>
      %add3A_165 = arith.addf %add3A_144, %get3A_164 : vector<16xf32>
      %add3A_166 = arith.constant 3 : i32
      %add3A_167 = arith.addi %mul3A_88, %add3A_166 : i32
      %get3A_168 = arith.index_cast %add3A_167 : i32 to index
      %get3A_169 = arith.constant 32 : index
      %get3A_170 = tpu.vector_load %arg7[%get3A_168, %get3A_169] {strides = array<i32>} : memref<384x128xf32, #tpu.memory_space<vmem>>, vector<1x16xf32>,
      %get3A_171 = vector.shape_cast %get3A_170 : vector<1x16xf32> to vector<16xf32>
      %add3A_172 = arith.addf %add3A_151, %get3A_171 : vector<16xf32>
      %add3A_173 = arith.constant 4 : i32
      %add3A_174 = arith.addi %mul3A_88, %add3A_173 : i32
      %get3A_175 = arith.index_cast %add3A_174 : i32 to index
      %get3A_176 = arith.constant 0 : index
      %get3A_177 = tpu.vector_load %arg7[%get3A_175, %get3A_176] {strides = array<i32>} : memref<384x128xf32, #tpu.memory_space<vmem>>, vector<1x16xf32>,
      %get3A_178 = vector.shape_cast %get3A_177 : vector<1x16xf32> to vector<16xf32>
      %add3A_179 = arith.addf %add3A_158, %get3A_178 : vector<16xf32>
      %add3A_180 = arith.constant 4 : i32
      %add3A_181 = arith.addi %mul3A_88, %add3A_180 : i32
      %get3A_182 = arith.index_cast %add3A_181 : i32 to index
      %get3A_183 = arith.constant 16 : index
      %get3A_184 = tpu.vector_load %arg7[%get3A_182, %get3A_183] {strides = array<i32>} : memref<384x128xf32, #tpu.memory_space<vmem>>, vector<1x16xf32>,
      %get3A_185 = vector.shape_cast %get3A_184 : vector<1x16xf32> to vector<16xf32>
      %add3A_186 = arith.addf %add3A_165, %get3A_185 : vector<16xf32>
      %add3A_187 = arith.constant 4 : i32
      %add3A_188 = arith.addi %mul3A_88, %add3A_187 : i32
      %get3A_189 = arith.index_cast %add3A_188 : i32 to index
      %get3A_190 = arith.constant 32 : index
      %get3A_191 = tpu.vector_load %arg7[%get3A_189, %get3A_190] {strides = array<i32>} : memref<384x128xf32, #tpu.memory_space<vmem>>, vector<1x16xf32>,
      %get3A_192 = vector.shape_cast %get3A_191 : vector<1x16xf32> to vector<16xf32>
      %add3A_193 = arith.addf %add3A_172, %get3A_192 : vector<16xf32>
      %add3A_194 = arith.constant 5 : i32
      %add3A_195 = arith.addi %mul3A_88, %add3A_194 : i32
      %get3A_196 = arith.index_cast %add3A_195 : i32 to index
      %get3A_197 = arith.constant 0 : index
      %get3A_198 = tpu.vector_load %arg7[%get3A_196, %get3A_197] {strides = array<i32>} : memref<384x128xf32, #tpu.memory_space<vmem>>, vector<1x16xf32>,
      %get3A_199 = vector.shape_cast %get3A_198 : vector<1x16xf32> to vector<16xf32>
      %add3A_200 = arith.addf %add3A_179, %get3A_199 : vector<16xf32>
      %add3A_201 = arith.constant 5 : i32
      %add3A_202 = arith.addi %mul3A_88, %add3A_201 : i32
      %get3A_203 = arith.index_cast %add3A_202 : i32 to index
      %get3A_204 = arith.constant 16 : index
      %get3A_205 = tpu.vector_load %arg7[%get3A_203, %get3A_204] {strides = array<i32>} : memref<384x128xf32, #tpu.memory_space<vmem>>, vector<1x16xf32>,
      %get3A_206 = vector.shape_cast %get3A_205 : vector<1x16xf32> to vector<16xf32>
      %add3A_207 = arith.addf %add3A_186, %get3A_206 : vector<16xf32>
      %add3A_208 = arith.constant 5 : i32
      %add3A_209 = arith.addi %mul3A_88, %add3A_208 : i32
      %get3A_210 = arith.index_cast %add3A_209 : i32 to index
      %get3A_211 = arith.constant 32 : index
      %get3A_212 = tpu.vector_load %arg7[%get3A_210, %get3A_211] {strides = array<i32>} : memref<384x128xf32, #tpu.memory_space<vmem>>, vector<1x16xf32>,
      %get3A_213 = vector.shape_cast %get3A_212 : vector<1x16xf32> to vector<16xf32>
      %add3A_214 = arith.addf %add3A_193, %get3A_213 : vector<16xf32>
      %add3A_215 = arith.constant 6 : i32
      %add3A_216 = arith.addi %mul3A_88, %add3A_215 : i32
      %get3A_217 = arith.index_cast %add3A_216 : i32 to index
      %get3A_218 = arith.constant 0 : index
      %get3A_219 = tpu.vector_load %arg7[%get3A_217, %get3A_218] {strides = array<i32>} : memref<384x128xf32, #tpu.memory_space<vmem>>, vector<1x16xf32>,
      %get3A_220 = vector.shape_cast %get3A_219 : vector<1x16xf32> to vector<16xf32>
      %add3A_221 = arith.addf %add3A_200, %get3A_220 : vector<16xf32>
      %add3A_222 = arith.constant 6 : i32
      %add3A_223 = arith.addi %mul3A_88, %add3A_222 : i32
      %get3A_224 = arith.index_cast %add3A_223 : i32 to index
      %get3A_225 = arith.constant 16 : index
      %get3A_226 = tpu.vector_load %arg7[%get3A_224, %get3A_225] {strides = array<i32>} : memref<384x128xf32, #tpu.memory_space<vmem>>, vector<1x16xf32>,
      %get3A_227 = vector.shape_cast %get3A_226 : vector<1x16xf32> to vector<16xf32>
      %add3A_228 = arith.addf %add3A_207, %get3A_227 : vector<16xf32>
      %add3A_229 = arith.constant 6 : i32
      %add3A_230 = arith.addi %mul3A_88, %add3A_229 : i32
      %get3A_231 = arith.index_cast %add3A_230 : i32 to index
      %get3A_232 = arith.constant 32 : index
      %get3A_233 = tpu.vector_load %arg7[%get3A_231, %get3A_232] {strides = array<i32>} : memref<384x128xf32, #tpu.memory_space<vmem>>, vector<1x16xf32>,
      %get3A_234 = vector.shape_cast %get3A_233 : vector<1x16xf32> to vector<16xf32>
      %add3A_235 = arith.addf %add3A_214, %get3A_234 : vector<16xf32>
      %add3A_236 = arith.constant 7 : i32
      %add3A_237 = arith.addi %mul3A_88, %add3A_236 : i32
      %get3A_238 = arith.index_cast %add3A_237 : i32 to index
      %get3A_239 = arith.constant 0 : index
      %get3A_240 = tpu.vector_load %arg7[%get3A_238, %get3A_239] {strides = array<i32>} : memref<384x128xf32, #tpu.memory_space<vmem>>, vector<1x16xf32>,
      %get3A_241 = vector.shape_cast %get3A_240 : vector<1x16xf32> to vector<16xf32>
      %add3A_242 = arith.addf %add3A_221, %get3A_241 : vector<16xf32>
      %add3A_243 = arith.constant 7 : i32
      %add3A_244 = arith.addi %mul3A_88, %add3A_243 : i32
      %get3A_245 = arith.index_cast %add3A_244 : i32 to index
      %get3A_246 = arith.constant 16 : index
      %get3A_247 = tpu.vector_load %arg7[%get3A_245, %get3A_246] {strides = array<i32>} : memref<384x128xf32, #tpu.memory_space<vmem>>, vector<1x16xf32>,
      %get3A_248 = vector.shape_cast %get3A_247 : vector<1x16xf32> to vector<16xf32>
      %add3A_249 = arith.addf %add3A_228, %get3A_248 : vector<16xf32>
      %add3A_250 = arith.constant 7 : i32
      %add3A_251 = arith.addi %mul3A_88, %add3A_250 : i32
      %get3A_252 = arith.index_cast %add3A_251 : i32 to index
      %get3A_253 = arith.constant 32 : index
      %get3A_254 = tpu.vector_load %arg7[%get3A_252, %get3A_253] {strides = array<i32>} : memref<384x128xf32, #tpu.memory_space<vmem>>, vector<1x16xf32>,
      %get3A_255 = vector.shape_cast %get3A_254 : vector<1x16xf32> to vector<16xf32>
      %add3A_256 = arith.addf %add3A_235, %get3A_255 : vector<16xf32>
      scf.yield %add3A_242, %add3A_249, %add3A_256 : vector<16xf32>, vector<16xf32>, vector<16xf32>
    }
    %scan3A_66 = arith.constant 48 : i32
    %get3A = arith.constant 0 : index
    %get3A_67 = tpu.vector_load %arg9[%get3A] {strides = array<i32>} : memref<16xf32, #tpu.memory_space<vmem>>, vector<16xf32>,
    %get3A_68 = vector.shape_cast %get3A_67 : vector<16xf32> to vector<16xf32>
    %mul3A_69 = arith.mulf %scan3A_65#0, %get3A_68 : vector<16xf32>
    %swap3A = arith.constant 0 : index
    %swap3A_70 = tpu.vector_load %arg8[%swap3A] {strides = array<i32>} : memref<48xf32, #tpu.memory_space<vmem>>, vector<16xf32>,
    %swap3A_71 = vector.shape_cast %swap3A_70 : vector<16xf32> to vector<16xf32>
    %swap3A_72 = vector.shape_cast %mul3A_69 : vector<16xf32> to vector<16xf32>
    tpu.vector_store %arg8[%swap3A], %swap3A_72 {strides = array<i32>} : memref<48xf32, #tpu.memory_space<vmem>>, vector<16xf32>,
    %mul3A_73 = arith.mulf %scan3A_65#1, %get3A_68 : vector<16xf32>
    %swap3A_74 = arith.constant 16 : index
    %swap3A_75 = tpu.vector_load %arg8[%swap3A_74] {strides = array<i32>} : memref<48xf32, #tpu.memory_space<vmem>>, vector<16xf32>,
    %swap3A_76 = vector.shape_cast %swap3A_75 : vector<16xf32> to vector<16xf32>
    %swap3A_77 = vector.shape_cast %mul3A_73 : vector<16xf32> to vector<16xf32>
    tpu.vector_store %arg8[%swap3A_74], %swap3A_77 {strides = array<i32>} : memref<48xf32, #tpu.memory_space<vmem>>, vector<16xf32>,
    %mul3A_78 = arith.mulf %scan3A_65#2, %get3A_68 : vector<16xf32>
    %swap3A_79 = arith.constant 32 : index
    %swap3A_80 = tpu.vector_load %arg8[%swap3A_79] {strides = array<i32>} : memref<48xf32, #tpu.memory_space<vmem>>, vector<16xf32>,
    %swap3A_81 = vector.shape_cast %swap3A_80 : vector<16xf32> to vector<16xf32>
    %swap3A_82 = vector.shape_cast %mul3A_78 : vector<16xf32> to vector<16xf32>
    tpu.vector_store %arg8[%swap3A_79], %swap3A_82 {strides = array<i32>} : memref<48xf32, #tpu.memory_space<vmem>>, vector<16xf32>,
    "tpu.region"() ({
      %run_scoped3A = tpu.sem_alloc : memref<!tpu.dma_semaphore, #tpu.memory_space<semaphore_mem>>
      %dma_start3A_83 = arith.constant 0 : i32
      %dma_start3A_84 = tpu.memref_slice %arg5[%add3A, %dma_start3A_83] : memref<32x48xf32, #tpu.memory_space<hbm>> -> memref<1x48xf32, #tpu.memory_space<hbm>>
      %dma_start3A_85 = tpu.memref_squeeze %dma_start3A_84 : memref<1x48xf32, #tpu.memory_space<hbm>> -> memref<48xf32, #tpu.memory_space<hbm>>
      %dma_start3A_86 = arith.constant 0 : i32
      %dma_start3A_87 = tpu.memref_slice %arg5[%add3A, %dma_start3A_86] : memref<32x48xf32, #tpu.memory_space<hbm>> -> memref<1x48xf32, #tpu.memory_space<hbm>>
      %dma_start3A_88 = tpu.memref_squeeze %dma_start3A_87 : memref<1x48xf32, #tpu.memory_space<hbm>> -> memref<48xf32, #tpu.memory_space<hbm>>
      tpu.enqueue_dma source(%arg8 : memref<48xf32, #tpu.memory_space<vmem>>) target(%dma_start3A_88 : memref<48xf32, #tpu.memory_space<hbm>>) target_semaphore(%run_scoped3A : memref<!tpu.dma_semaphore, #tpu.memory_space<semaphore_mem>>)
      %dma_wait3A_89 = arith.constant 0 : i32
      %dma_wait3A_90 = tpu.memref_slice %arg5[%add3A, %dma_wait3A_89] : memref<32x48xf32, #tpu.memory_space<hbm>> -> memref<1x48xf32, #tpu.memory_space<hbm>>
      %dma_wait3A_91 = tpu.memref_squeeze %dma_wait3A_90 : memref<1x48xf32, #tpu.memory_space<hbm>> -> memref<48xf32, #tpu.memory_space<hbm>>
      %dma_wait3A_92 = arith.constant 0 : i32
      %dma_wait3A_93 = tpu.memref_slice %arg5[%add3A, %dma_wait3A_92] : memref<32x48xf32, #tpu.memory_space<hbm>> -> memref<1x48xf32, #tpu.memory_space<hbm>>
      %dma_wait3A_94 = tpu.memref_squeeze %dma_wait3A_93 : memref<1x48xf32, #tpu.memory_space<hbm>> -> memref<48xf32, #tpu.memory_space<hbm>>
      tpu.wait_dma2 semaphore(%run_scoped3A : memref<!tpu.dma_semaphore, #tpu.memory_space<semaphore_mem>>) src(%arg8 : memref<48xf32, #tpu.memory_space<vmem>>) dst(%dma_wait3A_94 : memref<48xf32, #tpu.memory_space<hbm>>)
      tpu.yield
    }) : () -> ()
    return
  }
}

module attributes {stable_mosaic.version = 14 : i64} {
  func.func @_tc_body(%arg0: i32, %arg1: memref<512x3000xf32, #tpu.memory_space<vmem>>, %arg2: memref<1500x1536xbf16, #tpu.memory_space<vmem>>, %arg3: memref<1500x1536xbf16, #tpu.memory_space<vmem>>, %arg4: memref<1500x1536xbf16, #tpu.memory_space<vmem>>, %arg5: memref<1500x1536xbf16, #tpu.memory_space<vmem>>, %arg6: memref<3x512xi32, #tpu.memory_space<vmem>>) attributes {dimension_semantics = [#tpu.dimension_semantics<arbitrary>], iteration_bounds = array<i64: 8>, scalar_prefetch = 0 : i64, scratch_operands = 0 : i64, tpu.core_type = #tpu.core_type<tc>, window_params = [{transform_indices = @transform_0, window_bounds = array<i64: 512, 3000>}, {pipeline_mode = #tpu.pipeline_mode<synchronous>, transform_indices = @transform_1, window_bounds = array<i64: 1500, 1536>}, {pipeline_mode = #tpu.pipeline_mode<synchronous>, transform_indices = @transform_2, window_bounds = array<i64: 1500, 1536>}, {pipeline_mode = #tpu.pipeline_mode<synchronous>, transform_indices = @transform_3, window_bounds = array<i64: 1500, 1536>}, {pipeline_mode = #tpu.pipeline_mode<synchronous>, transform_indices = @transform_4, window_bounds = array<i64: 1500, 1536>}, {transform_indices = @transform_5, window_bounds = array<i64: 3, 512>}]} {
    %get3A = arith.constant 0 : index
    %get3A_0 = arith.constant 0 : index
    %get3A_1 = vector.load %arg1[%get3A, %get3A_0] : memref<512x3000xf32, #tpu.memory_space<vmem>>, vector<256x3000xf32>
    %slice3A = vector.extract_strided_slice %get3A_1 {offsets = [0, 0], sizes = [256, 1500], strides = [1, 1]} : vector<256x3000xf32> to vector<256x1500xf32>
    %slice3A_2 = vector.extract_strided_slice %get3A_1 {offsets = [0, 1500], sizes = [256, 1500], strides = [1, 1]} : vector<256x3000xf32> to vector<256x1500xf32>
    %add3A = arith.addf %slice3A, %slice3A_2 : vector<256x1500xf32>
    %sub3A = arith.subf %slice3A, %slice3A_2 : vector<256x1500xf32>
    %convert_element_type3A = arith.truncf %add3A : vector<256x1500xf32> to vector<256x1500xbf16>
    %convert_element_type3A_3 = arith.extf %convert_element_type3A : vector<256x1500xbf16> to vector<256x1500xf32>
    %sub3A_4 = arith.subf %add3A, %convert_element_type3A_3 : vector<256x1500xf32>
    %convert_element_type3A_5 = arith.truncf %sub3A_4 : vector<256x1500xf32> to vector<256x1500xbf16>
    %get3A_6 = arith.constant 0 : index
    %get3A_7 = arith.constant 0 : index
    %get3A_8 = vector.load %arg2[%get3A_6, %get3A_7] : memref<1500x1536xbf16, #tpu.memory_space<vmem>>, vector<1500x1536xbf16>
    %dot_general3A = arith.constant dense<0.000000e+00> : vector<256x1536xf32>
    %dot_general3A_9 = tpu.matmul %convert_element_type3A, %get3A_8, %dot_general3A {dimension_numbers = #tpu.dot_dimension_numbers<[1], [0], [0], [1], [0, 0, 1, 1], [], []>, transpose_lhs_hint = false} : vector<256x1500xbf16>, vector<1500x1536xbf16>, vector<256x1536xf32> -> vector<256x1536xf32>
    %get3A_10 = arith.constant 0 : index
    %get3A_11 = arith.constant 0 : index
    %get3A_12 = vector.load %arg3[%get3A_10, %get3A_11] : memref<1500x1536xbf16, #tpu.memory_space<vmem>>, vector<1500x1536xbf16>
    %dot_general3A_13 = arith.constant dense<0.000000e+00> : vector<256x1536xf32>
    %dot_general3A_14 = tpu.matmul %convert_element_type3A, %get3A_12, %dot_general3A_13 {dimension_numbers = #tpu.dot_dimension_numbers<[1], [0], [0], [1], [0, 0, 1, 1], [], []>, transpose_lhs_hint = false} : vector<256x1500xbf16>, vector<1500x1536xbf16>, vector<256x1536xf32> -> vector<256x1536xf32>
    %add3A_15 = arith.addf %dot_general3A_9, %dot_general3A_14 : vector<256x1536xf32>
    %get3A_16 = arith.constant 0 : index
    %get3A_17 = arith.constant 0 : index
    %get3A_18 = vector.load %arg2[%get3A_16, %get3A_17] : memref<1500x1536xbf16, #tpu.memory_space<vmem>>, vector<1500x1536xbf16>
    %dot_general3A_19 = arith.constant dense<0.000000e+00> : vector<256x1536xf32>
    %dot_general3A_20 = tpu.matmul %convert_element_type3A_5, %get3A_18, %dot_general3A_19 {dimension_numbers = #tpu.dot_dimension_numbers<[1], [0], [0], [1], [0, 0, 1, 1], [], []>, transpose_lhs_hint = false} : vector<256x1500xbf16>, vector<1500x1536xbf16>, vector<256x1536xf32> -> vector<256x1536xf32>
    %add3A_21 = arith.addf %add3A_15, %dot_general3A_20 : vector<256x1536xf32>
    %convert_element_type3A_22 = arith.truncf %sub3A : vector<256x1500xf32> to vector<256x1500xbf16>
    %convert_element_type3A_23 = arith.extf %convert_element_type3A_22 : vector<256x1500xbf16> to vector<256x1500xf32>
    %sub3A_24 = arith.subf %sub3A, %convert_element_type3A_23 : vector<256x1500xf32>
    %convert_element_type3A_25 = arith.truncf %sub3A_24 : vector<256x1500xf32> to vector<256x1500xbf16>
    %get3A_26 = arith.constant 0 : index
    %get3A_27 = arith.constant 0 : index
    %get3A_28 = vector.load %arg4[%get3A_26, %get3A_27] : memref<1500x1536xbf16, #tpu.memory_space<vmem>>, vector<1500x1536xbf16>
    %dot_general3A_29 = arith.constant dense<0.000000e+00> : vector<256x1536xf32>
    %dot_general3A_30 = tpu.matmul %convert_element_type3A_22, %get3A_28, %dot_general3A_29 {dimension_numbers = #tpu.dot_dimension_numbers<[1], [0], [0], [1], [0, 0, 1, 1], [], []>, transpose_lhs_hint = false} : vector<256x1500xbf16>, vector<1500x1536xbf16>, vector<256x1536xf32> -> vector<256x1536xf32>
    %get3A_31 = arith.constant 0 : index
    %get3A_32 = arith.constant 0 : index
    %get3A_33 = vector.load %arg5[%get3A_31, %get3A_32] : memref<1500x1536xbf16, #tpu.memory_space<vmem>>, vector<1500x1536xbf16>
    %dot_general3A_34 = arith.constant dense<0.000000e+00> : vector<256x1536xf32>
    %dot_general3A_35 = tpu.matmul %convert_element_type3A_22, %get3A_33, %dot_general3A_34 {dimension_numbers = #tpu.dot_dimension_numbers<[1], [0], [0], [1], [0, 0, 1, 1], [], []>, transpose_lhs_hint = false} : vector<256x1500xbf16>, vector<1500x1536xbf16>, vector<256x1536xf32> -> vector<256x1536xf32>
    %add3A_36 = arith.addf %dot_general3A_30, %dot_general3A_35 : vector<256x1536xf32>
    %get3A_37 = arith.constant 0 : index
    %get3A_38 = arith.constant 0 : index
    %get3A_39 = vector.load %arg4[%get3A_37, %get3A_38] : memref<1500x1536xbf16, #tpu.memory_space<vmem>>, vector<1500x1536xbf16>
    %dot_general3A_40 = arith.constant dense<0.000000e+00> : vector<256x1536xf32>
    %dot_general3A_41 = tpu.matmul %convert_element_type3A_25, %get3A_39, %dot_general3A_40 {dimension_numbers = #tpu.dot_dimension_numbers<[1], [0], [0], [1], [0, 0, 1, 1], [], []>, transpose_lhs_hint = false} : vector<256x1500xbf16>, vector<1500x1536xbf16>, vector<256x1536xf32> -> vector<256x1536xf32>
    %add3A_42 = arith.addf %add3A_36, %dot_general3A_41 : vector<256x1536xf32>
    %slice3A_43 = vector.extract_strided_slice %add3A_21 {offsets = [0, 0], sizes = [256, 768], strides = [1, 1]} : vector<256x1536xf32> to vector<256x768xf32>
    %slice3A_44 = vector.extract_strided_slice %add3A_21 {offsets = [0, 0], sizes = [256, 768], strides = [1, 1]} : vector<256x1536xf32> to vector<256x768xf32>
    %mul3A = arith.mulf %slice3A_43, %slice3A_44 : vector<256x768xf32>
    %slice3A_45 = vector.extract_strided_slice %add3A_21 {offsets = [0, 768], sizes = [256, 768], strides = [1, 1]} : vector<256x1536xf32> to vector<256x768xf32>
    %slice3A_46 = vector.extract_strided_slice %add3A_21 {offsets = [0, 768], sizes = [256, 768], strides = [1, 1]} : vector<256x1536xf32> to vector<256x768xf32>
    %mul3A_47 = arith.mulf %slice3A_45, %slice3A_46 : vector<256x768xf32>
    %add3A_48 = arith.addf %mul3A, %mul3A_47 : vector<256x768xf32>
    %slice3A_49 = vector.extract_strided_slice %add3A_42 {offsets = [0, 0], sizes = [256, 768], strides = [1, 1]} : vector<256x1536xf32> to vector<256x768xf32>
    %slice3A_50 = vector.extract_strided_slice %add3A_42 {offsets = [0, 0], sizes = [256, 768], strides = [1, 1]} : vector<256x1536xf32> to vector<256x768xf32>
    %mul3A_51 = arith.mulf %slice3A_49, %slice3A_50 : vector<256x768xf32>
    %slice3A_52 = vector.extract_strided_slice %add3A_42 {offsets = [0, 768], sizes = [256, 768], strides = [1, 1]} : vector<256x1536xf32> to vector<256x768xf32>
    %slice3A_53 = vector.extract_strided_slice %add3A_42 {offsets = [0, 768], sizes = [256, 768], strides = [1, 1]} : vector<256x1536xf32> to vector<256x768xf32>
    %mul3A_54 = arith.mulf %slice3A_52, %slice3A_53 : vector<256x768xf32>
    %add3A_55 = arith.addf %mul3A_51, %mul3A_54 : vector<256x768xf32>
    %iota3A = tpu.iota {dimensions = array<i32: 1>} : vector<256x768xi32>
    %bitcast_convert_type3A = tpu.bitcast %add3A_48 : vector<256x768xf32> -> vector<256x768xi32>
    %bitcast_convert_type3A_56 = tpu.bitcast %add3A_55 : vector<256x768xf32> -> vector<256x768xi32>
    %le3A = arith.constant 750 : i32
    %le3A_57 = vector.broadcast %le3A : i32 to vector<256x768xi32>
    %le3A_58 = arith.cmpi sle, %iota3A, %le3A_57 : vector<256x768xi32>
    %and3A = arith.constant -4096 : i32
    %and3A_59 = vector.broadcast %and3A : i32 to vector<256x768xi32>
    %and3A_60 = arith.andi %bitcast_convert_type3A, %and3A_59 : vector<256x768xi32>
    %mul3A_61 = arith.constant 2 : i32
    %mul3A_62 = vector.broadcast %mul3A_61 : i32 to vector<256x768xi32>
    %mul3A_63 = arith.muli %mul3A_62, %iota3A : vector<256x768xi32>
    %sub3A_64 = arith.constant 4095 : i32
    %sub3A_65 = vector.broadcast %sub3A_64 : i32 to vector<256x768xi32>
    %sub3A_66 = arith.subi %sub3A_65, %mul3A_63 : vector<256x768xi32>
    %or3A = arith.ori %and3A_60, %sub3A_66 : vector<256x768xi32>
    %jit3A = arith.constant -2 : i32
    %broadcast_in_dim3A = vector.broadcast %jit3A : i32 to vector<256x768xi32>
    %select_n3A = arith.select %le3A_58, %or3A, %broadcast_in_dim3A : vector<256x768xi1>, vector<256x768xi32>
    %le3A_67 = arith.constant 749 : i32
    %le3A_68 = vector.broadcast %le3A_67 : i32 to vector<256x768xi32>
    %le3A_69 = arith.cmpi sle, %iota3A, %le3A_68 : vector<256x768xi32>
    %and3A_70 = arith.constant -4096 : i32
    %and3A_71 = vector.broadcast %and3A_70 : i32 to vector<256x768xi32>
    %and3A_72 = arith.andi %bitcast_convert_type3A_56, %and3A_71 : vector<256x768xi32>
    %mul3A_73 = arith.constant 2 : i32
    %mul3A_74 = vector.broadcast %mul3A_73 : i32 to vector<256x768xi32>
    %mul3A_75 = arith.muli %mul3A_74, %iota3A : vector<256x768xi32>
    %add3A_76 = arith.constant 1 : i32
    %add3A_77 = vector.broadcast %add3A_76 : i32 to vector<256x768xi32>
    %add3A_78 = arith.addi %mul3A_75, %add3A_77 : vector<256x768xi32>
    %sub3A_79 = arith.constant 4095 : i32
    %sub3A_80 = vector.broadcast %sub3A_79 : i32 to vector<256x768xi32>
    %sub3A_81 = arith.subi %sub3A_80, %add3A_78 : vector<256x768xi32>
    %or3A_82 = arith.ori %and3A_72, %sub3A_81 : vector<256x768xi32>
    %jit3A_83 = arith.constant -2 : i32
    %broadcast_in_dim3A_84 = vector.broadcast %jit3A_83 : i32 to vector<256x768xi32>
    %select_n3A_85 = arith.select %le3A_69, %or3A_82, %broadcast_in_dim3A_84 : vector<256x768xi1>, vector<256x768xi32>
    %concatenate3A = tpu.concatenate %select_n3A, %select_n3A_85 in 1 : vector<256x768xi32>, vector<256x768xi32> -> vector<256x1536xi32>
    %reduce_max3A = arith.constant dense<-2147483648> : vector<256xi32>
    %reduce_max3A_86 = vector.multi_reduction <maxsi>, %concatenate3A, %reduce_max3A [1] : vector<256x1536xi32> to vector<256xi32>
    %broadcast_in_dim3A_87 = vector.shape_cast %reduce_max3A_86 : vector<256xi32> to vector<256x1xi32>
    %eq3A = vector.broadcast %broadcast_in_dim3A_87 : vector<256x1xi32> to vector<256x1536xi32>
    %eq3A_88 = arith.cmpi eq, %concatenate3A, %eq3A : vector<256x1536xi32>
    %jit3A_89 = arith.constant -1 : i32
    %broadcast_in_dim3A_90 = vector.broadcast %jit3A_89 : i32 to vector<256x1536xi32>
    %select_n3A_91 = arith.select %eq3A_88, %broadcast_in_dim3A_90, %concatenate3A : vector<256x1536xi1>, vector<256x1536xi32>
    %and3A_92 = arith.constant 4095 : i32
    %and3A_93 = vector.broadcast %and3A_92 : i32 to vector<256x1xi32>
    %and3A_94 = arith.andi %broadcast_in_dim3A_87, %and3A_93 : vector<256x1xi32>
    %sub3A_95 = arith.constant 4095 : i32
    %sub3A_96 = vector.broadcast %sub3A_95 : i32 to vector<256x1xi32>
    %sub3A_97 = arith.subi %sub3A_96, %and3A_94 : vector<256x1xi32>
    %eq3A_98 = arith.constant 0 : i32
    %eq3A_99 = vector.broadcast %eq3A_98 : i32 to vector<256x1xi32>
    %eq3A_100 = arith.cmpi eq, %sub3A_97, %eq3A_99 : vector<256x1xi32>
    %eq3A_101 = arith.constant 1500 : i32
    %eq3A_102 = vector.broadcast %eq3A_101 : i32 to vector<256x1xi32>
    %eq3A_103 = arith.cmpi eq, %sub3A_97, %eq3A_102 : vector<256x1xi32>
    %or3A_104 = arith.ori %eq3A_100, %eq3A_103 : vector<256x1xi1>
    %jit3A_105 = arith.constant 1 : i32
    %jit3A_106 = arith.constant 2 : i32
    %broadcast_in_dim3A_107 = vector.broadcast %jit3A_105 : i32 to vector<256x1xi32>
    %broadcast_in_dim3A_108 = vector.broadcast %jit3A_106 : i32 to vector<256x1xi32>
    %select_n3A_109 = arith.select %or3A_104, %broadcast_in_dim3A_107, %broadcast_in_dim3A_108 : vector<256x1xi1>, vector<256x1xi32>
    %reduce_max3A_110 = arith.constant dense<-2147483648> : vector<256xi32>
    %reduce_max3A_111 = vector.multi_reduction <maxsi>, %select_n3A_91, %reduce_max3A_110 [1] : vector<256x1536xi32> to vector<256xi32>
    %broadcast_in_dim3A_112 = vector.shape_cast %reduce_max3A_111 : vector<256xi32> to vector<256x1xi32>
    %eq3A_113 = vector.broadcast %broadcast_in_dim3A_112 : vector<256x1xi32> to vector<256x1536xi32>
    %eq3A_114 = arith.cmpi eq, %select_n3A_91, %eq3A_113 : vector<256x1536xi32>
    %jit3A_115 = arith.constant -1 : i32
    %broadcast_in_dim3A_116 = vector.broadcast %jit3A_115 : i32 to vector<256x1536xi32>
    %select_n3A_117 = arith.select %eq3A_114, %broadcast_in_dim3A_116, %select_n3A_91 : vector<256x1536xi1>, vector<256x1536xi32>
    %and3A_118 = arith.constant 4095 : i32
    %and3A_119 = vector.broadcast %and3A_118 : i32 to vector<256x1xi32>
    %and3A_120 = arith.andi %broadcast_in_dim3A_112, %and3A_119 : vector<256x1xi32>
    %sub3A_121 = arith.constant 4095 : i32
    %sub3A_122 = vector.broadcast %sub3A_121 : i32 to vector<256x1xi32>
    %sub3A_123 = arith.subi %sub3A_122, %and3A_120 : vector<256x1xi32>
    %eq3A_124 = arith.constant 0 : i32
    %eq3A_125 = vector.broadcast %eq3A_124 : i32 to vector<256x1xi32>
    %eq3A_126 = arith.cmpi eq, %sub3A_123, %eq3A_125 : vector<256x1xi32>
    %eq3A_127 = arith.constant 1500 : i32
    %eq3A_128 = vector.broadcast %eq3A_127 : i32 to vector<256x1xi32>
    %eq3A_129 = arith.cmpi eq, %sub3A_123, %eq3A_128 : vector<256x1xi32>
    %or3A_130 = arith.ori %eq3A_126, %eq3A_129 : vector<256x1xi1>
    %jit3A_131 = arith.constant 1 : i32
    %jit3A_132 = arith.constant 2 : i32
    %broadcast_in_dim3A_133 = vector.broadcast %jit3A_131 : i32 to vector<256x1xi32>
    %broadcast_in_dim3A_134 = vector.broadcast %jit3A_132 : i32 to vector<256x1xi32>
    %select_n3A_135 = arith.select %or3A_130, %broadcast_in_dim3A_133, %broadcast_in_dim3A_134 : vector<256x1xi1>, vector<256x1xi32>
    %reduce_max3A_136 = arith.constant dense<-2147483648> : vector<256xi32>
    %reduce_max3A_137 = vector.multi_reduction <maxsi>, %select_n3A_117, %reduce_max3A_136 [1] : vector<256x1536xi32> to vector<256xi32>
    %broadcast_in_dim3A_138 = vector.shape_cast %reduce_max3A_137 : vector<256xi32> to vector<256x1xi32>
    %eq3A_139 = vector.broadcast %broadcast_in_dim3A_138 : vector<256x1xi32> to vector<256x1536xi32>
    %eq3A_140 = arith.cmpi eq, %select_n3A_117, %eq3A_139 : vector<256x1536xi32>
    %jit3A_141 = arith.constant -1 : i32
    %broadcast_in_dim3A_142 = vector.broadcast %jit3A_141 : i32 to vector<256x1536xi32>
    %select_n3A_143 = arith.select %eq3A_140, %broadcast_in_dim3A_142, %select_n3A_117 : vector<256x1536xi1>, vector<256x1536xi32>
    %and3A_144 = arith.constant 4095 : i32
    %and3A_145 = vector.broadcast %and3A_144 : i32 to vector<256x1xi32>
    %and3A_146 = arith.andi %broadcast_in_dim3A_138, %and3A_145 : vector<256x1xi32>
    %sub3A_147 = arith.constant 4095 : i32
    %sub3A_148 = vector.broadcast %sub3A_147 : i32 to vector<256x1xi32>
    %sub3A_149 = arith.subi %sub3A_148, %and3A_146 : vector<256x1xi32>
    %eq3A_150 = arith.constant 0 : i32
    %eq3A_151 = vector.broadcast %eq3A_150 : i32 to vector<256x1xi32>
    %eq3A_152 = arith.cmpi eq, %sub3A_149, %eq3A_151 : vector<256x1xi32>
    %eq3A_153 = arith.constant 1500 : i32
    %eq3A_154 = vector.broadcast %eq3A_153 : i32 to vector<256x1xi32>
    %eq3A_155 = arith.cmpi eq, %sub3A_149, %eq3A_154 : vector<256x1xi32>
    %or3A_156 = arith.ori %eq3A_152, %eq3A_155 : vector<256x1xi1>
    %jit3A_157 = arith.constant 1 : i32
    %jit3A_158 = arith.constant 2 : i32
    %broadcast_in_dim3A_159 = vector.broadcast %jit3A_157 : i32 to vector<256x1xi32>
    %broadcast_in_dim3A_160 = vector.broadcast %jit3A_158 : i32 to vector<256x1xi32>
    %select_n3A_161 = arith.select %or3A_156, %broadcast_in_dim3A_159, %broadcast_in_dim3A_160 : vector<256x1xi1>, vector<256x1xi32>
    %reduce_max3A_162 = arith.constant dense<-2147483648> : vector<256xi32>
    %reduce_max3A_163 = vector.multi_reduction <maxsi>, %select_n3A_143, %reduce_max3A_162 [1] : vector<256x1536xi32> to vector<256xi32>
    %broadcast_in_dim3A_164 = vector.shape_cast %reduce_max3A_163 : vector<256xi32> to vector<256x1xi32>
    %and3A_165 = arith.constant 4095 : i32
    %and3A_166 = vector.broadcast %and3A_165 : i32 to vector<256x1xi32>
    %and3A_167 = arith.andi %broadcast_in_dim3A_164, %and3A_166 : vector<256x1xi32>
    %sub3A_168 = arith.constant 4095 : i32
    %sub3A_169 = vector.broadcast %sub3A_168 : i32 to vector<256x1xi32>
    %sub3A_170 = arith.subi %sub3A_169, %and3A_167 : vector<256x1xi32>
    %eq3A_171 = arith.constant 0 : i32
    %eq3A_172 = vector.broadcast %eq3A_171 : i32 to vector<256x1xi32>
    %eq3A_173 = arith.cmpi eq, %sub3A_170, %eq3A_172 : vector<256x1xi32>
    %eq3A_174 = arith.constant 1500 : i32
    %eq3A_175 = vector.broadcast %eq3A_174 : i32 to vector<256x1xi32>
    %eq3A_176 = arith.cmpi eq, %sub3A_170, %eq3A_175 : vector<256x1xi32>
    %or3A_177 = arith.ori %eq3A_173, %eq3A_176 : vector<256x1xi1>
    %jit3A_178 = arith.constant 1 : i32
    %jit3A_179 = arith.constant 2 : i32
    %broadcast_in_dim3A_180 = vector.broadcast %jit3A_178 : i32 to vector<256x1xi32>
    %broadcast_in_dim3A_181 = vector.broadcast %jit3A_179 : i32 to vector<256x1xi32>
    %select_n3A_182 = arith.select %or3A_177, %broadcast_in_dim3A_180, %broadcast_in_dim3A_181 : vector<256x1xi1>, vector<256x1xi32>
    %broadcast_in_dim3A_183 = arith.constant 0 : i32
    %broadcast_in_dim3A_184 = vector.broadcast %broadcast_in_dim3A_183 : i32 to vector<256x1xi32>
    %add3A_185 = arith.addi %select_n3A_109, %select_n3A_135 : vector<256x1xi32>
    %add3A_186 = arith.addi %add3A_185, %select_n3A_161 : vector<256x1xi32>
    %le3A_187 = arith.constant 1 : i32
    %le3A_188 = vector.broadcast %le3A_187 : i32 to vector<256x1xi32>
    %le3A_189 = arith.cmpi sle, %broadcast_in_dim3A_184, %le3A_188 : vector<256x1xi32>
    %add3A_190 = arith.addi %broadcast_in_dim3A_184, %select_n3A_109 : vector<256x1xi32>
    %gt3A = arith.constant 1 : i32
    %gt3A_191 = vector.broadcast %gt3A : i32 to vector<256x1xi32>
    %gt3A_192 = arith.cmpi sgt, %add3A_190, %gt3A_191 : vector<256x1xi32>
    %and3A_193 = arith.andi %le3A_189, %gt3A_192 : vector<256x1xi1>
    %convert_element_type3A_194 = arith.extui %and3A_193 : vector<256x1xi1> to vector<256x1xi32>
    %mul3A_195 = arith.muli %sub3A_97, %convert_element_type3A_194 : vector<256x1xi32>
    %add3A_196 = arith.constant 0 : i32
    %add3A_197 = vector.broadcast %add3A_196 : i32 to vector<256x1xi32>
    %add3A_198 = arith.addi %add3A_197, %mul3A_195 : vector<256x1xi32>
    %le3A_199 = arith.constant 1 : i32
    %le3A_200 = vector.broadcast %le3A_199 : i32 to vector<256x1xi32>
    %le3A_201 = arith.cmpi sle, %select_n3A_109, %le3A_200 : vector<256x1xi32>
    %add3A_202 = arith.addi %select_n3A_109, %select_n3A_135 : vector<256x1xi32>
    %gt3A_203 = arith.constant 1 : i32
    %gt3A_204 = vector.broadcast %gt3A_203 : i32 to vector<256x1xi32>
    %gt3A_205 = arith.cmpi sgt, %add3A_202, %gt3A_204 : vector<256x1xi32>
    %and3A_206 = arith.andi %le3A_201, %gt3A_205 : vector<256x1xi1>
    %convert_element_type3A_207 = arith.extui %and3A_206 : vector<256x1xi1> to vector<256x1xi32>
    %mul3A_208 = arith.muli %sub3A_123, %convert_element_type3A_207 : vector<256x1xi32>
    %add3A_209 = arith.addi %add3A_198, %mul3A_208 : vector<256x1xi32>
    %le3A_210 = arith.constant 1 : i32
    %le3A_211 = vector.broadcast %le3A_210 : i32 to vector<256x1xi32>
    %le3A_212 = arith.cmpi sle, %add3A_185, %le3A_211 : vector<256x1xi32>
    %add3A_213 = arith.addi %add3A_185, %select_n3A_161 : vector<256x1xi32>
    %gt3A_214 = arith.constant 1 : i32
    %gt3A_215 = vector.broadcast %gt3A_214 : i32 to vector<256x1xi32>
    %gt3A_216 = arith.cmpi sgt, %add3A_213, %gt3A_215 : vector<256x1xi32>
    %and3A_217 = arith.andi %le3A_212, %gt3A_216 : vector<256x1xi1>
    %convert_element_type3A_218 = arith.extui %and3A_217 : vector<256x1xi1> to vector<256x1xi32>
    %mul3A_219 = arith.muli %sub3A_149, %convert_element_type3A_218 : vector<256x1xi32>
    %add3A_220 = arith.addi %add3A_209, %mul3A_219 : vector<256x1xi32>
    %le3A_221 = arith.constant 1 : i32
    %le3A_222 = vector.broadcast %le3A_221 : i32 to vector<256x1xi32>
    %le3A_223 = arith.cmpi sle, %add3A_186, %le3A_222 : vector<256x1xi32>
    %add3A_224 = arith.addi %add3A_186, %select_n3A_182 : vector<256x1xi32>
    %gt3A_225 = arith.constant 1 : i32
    %gt3A_226 = vector.broadcast %gt3A_225 : i32 to vector<256x1xi32>
    %gt3A_227 = arith.cmpi sgt, %add3A_224, %gt3A_226 : vector<256x1xi32>
    %and3A_228 = arith.andi %le3A_223, %gt3A_227 : vector<256x1xi1>
    %convert_element_type3A_229 = arith.extui %and3A_228 : vector<256x1xi1> to vector<256x1xi32>
    %mul3A_230 = arith.muli %sub3A_170, %convert_element_type3A_229 : vector<256x1xi32>
    %add3A_231 = arith.addi %add3A_220, %mul3A_230 : vector<256x1xi32>
    %le3A_232 = arith.constant 3 : i32
    %le3A_233 = vector.broadcast %le3A_232 : i32 to vector<256x1xi32>
    %le3A_234 = arith.cmpi sle, %broadcast_in_dim3A_184, %le3A_233 : vector<256x1xi32>
    %add3A_235 = arith.addi %broadcast_in_dim3A_184, %select_n3A_109 : vector<256x1xi32>
    %gt3A_236 = arith.constant 3 : i32
    %gt3A_237 = vector.broadcast %gt3A_236 : i32 to vector<256x1xi32>
    %gt3A_238 = arith.cmpi sgt, %add3A_235, %gt3A_237 : vector<256x1xi32>
    %and3A_239 = arith.andi %le3A_234, %gt3A_238 : vector<256x1xi1>
    %convert_element_type3A_240 = arith.extui %and3A_239 : vector<256x1xi1> to vector<256x1xi32>
    %mul3A_241 = arith.muli %sub3A_97, %convert_element_type3A_240 : vector<256x1xi32>
    %add3A_242 = arith.constant 0 : i32
    %add3A_243 = vector.broadcast %add3A_242 : i32 to vector<256x1xi32>
    %add3A_244 = arith.addi %add3A_243, %mul3A_241 : vector<256x1xi32>
    %le3A_245 = arith.constant 3 : i32
    %le3A_246 = vector.broadcast %le3A_245 : i32 to vector<256x1xi32>
    %le3A_247 = arith.cmpi sle, %select_n3A_109, %le3A_246 : vector<256x1xi32>
    %add3A_248 = arith.addi %select_n3A_109, %select_n3A_135 : vector<256x1xi32>
    %gt3A_249 = arith.constant 3 : i32
    %gt3A_250 = vector.broadcast %gt3A_249 : i32 to vector<256x1xi32>
    %gt3A_251 = arith.cmpi sgt, %add3A_248, %gt3A_250 : vector<256x1xi32>
    %and3A_252 = arith.andi %le3A_247, %gt3A_251 : vector<256x1xi1>
    %convert_element_type3A_253 = arith.extui %and3A_252 : vector<256x1xi1> to vector<256x1xi32>
    %mul3A_254 = arith.muli %sub3A_123, %convert_element_type3A_253 : vector<256x1xi32>
    %add3A_255 = arith.addi %add3A_244, %mul3A_254 : vector<256x1xi32>
    %le3A_256 = arith.constant 3 : i32
    %le3A_257 = vector.broadcast %le3A_256 : i32 to vector<256x1xi32>
    %le3A_258 = arith.cmpi sle, %add3A_185, %le3A_257 : vector<256x1xi32>
    %add3A_259 = arith.addi %add3A_185, %select_n3A_161 : vector<256x1xi32>
    %gt3A_260 = arith.constant 3 : i32
    %gt3A_261 = vector.broadcast %gt3A_260 : i32 to vector<256x1xi32>
    %gt3A_262 = arith.cmpi sgt, %add3A_259, %gt3A_261 : vector<256x1xi32>
    %and3A_263 = arith.andi %le3A_258, %gt3A_262 : vector<256x1xi1>
    %convert_element_type3A_264 = arith.extui %and3A_263 : vector<256x1xi1> to vector<256x1xi32>
    %mul3A_265 = arith.muli %sub3A_149, %convert_element_type3A_264 : vector<256x1xi32>
    %add3A_266 = arith.addi %add3A_255, %mul3A_265 : vector<256x1xi32>
    %le3A_267 = arith.constant 3 : i32
    %le3A_268 = vector.broadcast %le3A_267 : i32 to vector<256x1xi32>
    %le3A_269 = arith.cmpi sle, %add3A_186, %le3A_268 : vector<256x1xi32>
    %add3A_270 = arith.addi %add3A_186, %select_n3A_182 : vector<256x1xi32>
    %gt3A_271 = arith.constant 3 : i32
    %gt3A_272 = vector.broadcast %gt3A_271 : i32 to vector<256x1xi32>
    %gt3A_273 = arith.cmpi sgt, %add3A_270, %gt3A_272 : vector<256x1xi32>
    %and3A_274 = arith.andi %le3A_269, %gt3A_273 : vector<256x1xi1>
    %convert_element_type3A_275 = arith.extui %and3A_274 : vector<256x1xi1> to vector<256x1xi32>
    %mul3A_276 = arith.muli %sub3A_170, %convert_element_type3A_275 : vector<256x1xi32>
    %add3A_277 = arith.addi %add3A_266, %mul3A_276 : vector<256x1xi32>
    %le3A_278 = arith.constant 5 : i32
    %le3A_279 = vector.broadcast %le3A_278 : i32 to vector<256x1xi32>
    %le3A_280 = arith.cmpi sle, %broadcast_in_dim3A_184, %le3A_279 : vector<256x1xi32>
    %add3A_281 = arith.addi %broadcast_in_dim3A_184, %select_n3A_109 : vector<256x1xi32>
    %gt3A_282 = arith.constant 5 : i32
    %gt3A_283 = vector.broadcast %gt3A_282 : i32 to vector<256x1xi32>
    %gt3A_284 = arith.cmpi sgt, %add3A_281, %gt3A_283 : vector<256x1xi32>
    %and3A_285 = arith.andi %le3A_280, %gt3A_284 : vector<256x1xi1>
    %convert_element_type3A_286 = arith.extui %and3A_285 : vector<256x1xi1> to vector<256x1xi32>
    %mul3A_287 = arith.muli %sub3A_97, %convert_element_type3A_286 : vector<256x1xi32>
    %add3A_288 = arith.constant 0 : i32
    %add3A_289 = vector.broadcast %add3A_288 : i32 to vector<256x1xi32>
    %add3A_290 = arith.addi %add3A_289, %mul3A_287 : vector<256x1xi32>
    %le3A_291 = arith.constant 5 : i32
    %le3A_292 = vector.broadcast %le3A_291 : i32 to vector<256x1xi32>
    %le3A_293 = arith.cmpi sle, %select_n3A_109, %le3A_292 : vector<256x1xi32>
    %add3A_294 = arith.addi %select_n3A_109, %select_n3A_135 : vector<256x1xi32>
    %gt3A_295 = arith.constant 5 : i32
    %gt3A_296 = vector.broadcast %gt3A_295 : i32 to vector<256x1xi32>
    %gt3A_297 = arith.cmpi sgt, %add3A_294, %gt3A_296 : vector<256x1xi32>
    %and3A_298 = arith.andi %le3A_293, %gt3A_297 : vector<256x1xi1>
    %convert_element_type3A_299 = arith.extui %and3A_298 : vector<256x1xi1> to vector<256x1xi32>
    %mul3A_300 = arith.muli %sub3A_123, %convert_element_type3A_299 : vector<256x1xi32>
    %add3A_301 = arith.addi %add3A_290, %mul3A_300 : vector<256x1xi32>
    %le3A_302 = arith.constant 5 : i32
    %le3A_303 = vector.broadcast %le3A_302 : i32 to vector<256x1xi32>
    %le3A_304 = arith.cmpi sle, %add3A_185, %le3A_303 : vector<256x1xi32>
    %add3A_305 = arith.addi %add3A_185, %select_n3A_161 : vector<256x1xi32>
    %gt3A_306 = arith.constant 5 : i32
    %gt3A_307 = vector.broadcast %gt3A_306 : i32 to vector<256x1xi32>
    %gt3A_308 = arith.cmpi sgt, %add3A_305, %gt3A_307 : vector<256x1xi32>
    %and3A_309 = arith.andi %le3A_304, %gt3A_308 : vector<256x1xi1>
    %convert_element_type3A_310 = arith.extui %and3A_309 : vector<256x1xi1> to vector<256x1xi32>
    %mul3A_311 = arith.muli %sub3A_149, %convert_element_type3A_310 : vector<256x1xi32>
    %add3A_312 = arith.addi %add3A_301, %mul3A_311 : vector<256x1xi32>
    %le3A_313 = arith.constant 5 : i32
    %le3A_314 = vector.broadcast %le3A_313 : i32 to vector<256x1xi32>
    %le3A_315 = arith.cmpi sle, %add3A_186, %le3A_314 : vector<256x1xi32>
    %add3A_316 = arith.addi %add3A_186, %select_n3A_182 : vector<256x1xi32>
    %gt3A_317 = arith.constant 5 : i32
    %gt3A_318 = vector.broadcast %gt3A_317 : i32 to vector<256x1xi32>
    %gt3A_319 = arith.cmpi sgt, %add3A_316, %gt3A_318 : vector<256x1xi32>
    %and3A_320 = arith.andi %le3A_315, %gt3A_319 : vector<256x1xi1>
    %convert_element_type3A_321 = arith.extui %and3A_320 : vector<256x1xi1> to vector<256x1xi32>
    %mul3A_322 = arith.muli %sub3A_170, %convert_element_type3A_321 : vector<256x1xi32>
    %add3A_323 = arith.addi %add3A_312, %mul3A_322 : vector<256x1xi32>
    %iota3A_324 = tpu.iota {dimensions = array<i32: 1>} : vector<256x3xi32>
    %eq3A_325 = arith.constant 0 : i32
    %eq3A_326 = vector.broadcast %eq3A_325 : i32 to vector<256x3xi32>
    %eq3A_327 = arith.cmpi eq, %iota3A_324, %eq3A_326 : vector<256x3xi32>
    %eq3A_328 = arith.constant 1 : i32
    %eq3A_329 = vector.broadcast %eq3A_328 : i32 to vector<256x3xi32>
    %eq3A_330 = arith.cmpi eq, %iota3A_324, %eq3A_329 : vector<256x3xi32>
    %broadcast_in_dim3A_331 = vector.shape_cast %add3A_277 : vector<256x1xi32> to vector<256x1xi32>
    %broadcast_in_dim3A_332 = vector.broadcast %broadcast_in_dim3A_331 : vector<256x1xi32> to vector<256x3xi32>
    %broadcast_in_dim3A_333 = vector.shape_cast %add3A_323 : vector<256x1xi32> to vector<256x1xi32>
    %broadcast_in_dim3A_334 = vector.broadcast %broadcast_in_dim3A_333 : vector<256x1xi32> to vector<256x3xi32>
    %select_n3A_335 = arith.select %eq3A_330, %broadcast_in_dim3A_332, %broadcast_in_dim3A_334 : vector<256x3xi1>, vector<256x3xi32>
    %broadcast_in_dim3A_336 = vector.shape_cast %add3A_231 : vector<256x1xi32> to vector<256x1xi32>
    %broadcast_in_dim3A_337 = vector.broadcast %broadcast_in_dim3A_336 : vector<256x1xi32> to vector<256x3xi32>
    %select_n3A_338 = arith.select %eq3A_327, %broadcast_in_dim3A_337, %select_n3A_335 : vector<256x3xi1>, vector<256x3xi32>
    %transpose3A = tpu.transpose %select_n3A_338, [1, 0] : vector<256x3xi32> -> vector<3x256xi32>
    %swap3A = arith.constant 0 : index
    %swap3A_339 = arith.constant 0 : index
    %swap3A_340 = vector.load %arg6[%swap3A, %swap3A_339] : memref<3x512xi32, #tpu.memory_space<vmem>>, vector<3x256xi32>
    tpu.vector_store %arg6[%swap3A, %swap3A_339], %transpose3A {strides = array<i32>} : memref<3x512xi32, #tpu.memory_space<vmem>>, vector<3x256xi32>,
    %get3A_341 = arith.constant 256 : index
    %get3A_342 = arith.constant 0 : index
    %get3A_343 = vector.load %arg1[%get3A_341, %get3A_342] : memref<512x3000xf32, #tpu.memory_space<vmem>>, vector<256x3000xf32>
    %slice3A_344 = vector.extract_strided_slice %get3A_343 {offsets = [0, 0], sizes = [256, 1500], strides = [1, 1]} : vector<256x3000xf32> to vector<256x1500xf32>
    %slice3A_345 = vector.extract_strided_slice %get3A_343 {offsets = [0, 1500], sizes = [256, 1500], strides = [1, 1]} : vector<256x3000xf32> to vector<256x1500xf32>
    %add3A_346 = arith.addf %slice3A_344, %slice3A_345 : vector<256x1500xf32>
    %sub3A_347 = arith.subf %slice3A_344, %slice3A_345 : vector<256x1500xf32>
    %convert_element_type3A_348 = arith.truncf %add3A_346 : vector<256x1500xf32> to vector<256x1500xbf16>
    %convert_element_type3A_349 = arith.extf %convert_element_type3A_348 : vector<256x1500xbf16> to vector<256x1500xf32>
    %sub3A_350 = arith.subf %add3A_346, %convert_element_type3A_349 : vector<256x1500xf32>
    %convert_element_type3A_351 = arith.truncf %sub3A_350 : vector<256x1500xf32> to vector<256x1500xbf16>
    %get3A_352 = arith.constant 0 : index
    %get3A_353 = arith.constant 0 : index
    %get3A_354 = vector.load %arg2[%get3A_352, %get3A_353] : memref<1500x1536xbf16, #tpu.memory_space<vmem>>, vector<1500x1536xbf16>
    %dot_general3A_355 = arith.constant dense<0.000000e+00> : vector<256x1536xf32>
    %dot_general3A_356 = tpu.matmul %convert_element_type3A_348, %get3A_354, %dot_general3A_355 {dimension_numbers = #tpu.dot_dimension_numbers<[1], [0], [0], [1], [0, 0, 1, 1], [], []>, transpose_lhs_hint = false} : vector<256x1500xbf16>, vector<1500x1536xbf16>, vector<256x1536xf32> -> vector<256x1536xf32>
    %get3A_357 = arith.constant 0 : index
    %get3A_358 = arith.constant 0 : index
    %get3A_359 = vector.load %arg3[%get3A_357, %get3A_358] : memref<1500x1536xbf16, #tpu.memory_space<vmem>>, vector<1500x1536xbf16>
    %dot_general3A_360 = arith.constant dense<0.000000e+00> : vector<256x1536xf32>
    %dot_general3A_361 = tpu.matmul %convert_element_type3A_348, %get3A_359, %dot_general3A_360 {dimension_numbers = #tpu.dot_dimension_numbers<[1], [0], [0], [1], [0, 0, 1, 1], [], []>, transpose_lhs_hint = false} : vector<256x1500xbf16>, vector<1500x1536xbf16>, vector<256x1536xf32> -> vector<256x1536xf32>
    %add3A_362 = arith.addf %dot_general3A_356, %dot_general3A_361 : vector<256x1536xf32>
    %get3A_363 = arith.constant 0 : index
    %get3A_364 = arith.constant 0 : index
    %get3A_365 = vector.load %arg2[%get3A_363, %get3A_364] : memref<1500x1536xbf16, #tpu.memory_space<vmem>>, vector<1500x1536xbf16>
    %dot_general3A_366 = arith.constant dense<0.000000e+00> : vector<256x1536xf32>
    %dot_general3A_367 = tpu.matmul %convert_element_type3A_351, %get3A_365, %dot_general3A_366 {dimension_numbers = #tpu.dot_dimension_numbers<[1], [0], [0], [1], [0, 0, 1, 1], [], []>, transpose_lhs_hint = false} : vector<256x1500xbf16>, vector<1500x1536xbf16>, vector<256x1536xf32> -> vector<256x1536xf32>
    %add3A_368 = arith.addf %add3A_362, %dot_general3A_367 : vector<256x1536xf32>
    %convert_element_type3A_369 = arith.truncf %sub3A_347 : vector<256x1500xf32> to vector<256x1500xbf16>
    %convert_element_type3A_370 = arith.extf %convert_element_type3A_369 : vector<256x1500xbf16> to vector<256x1500xf32>
    %sub3A_371 = arith.subf %sub3A_347, %convert_element_type3A_370 : vector<256x1500xf32>
    %convert_element_type3A_372 = arith.truncf %sub3A_371 : vector<256x1500xf32> to vector<256x1500xbf16>
    %get3A_373 = arith.constant 0 : index
    %get3A_374 = arith.constant 0 : index
    %get3A_375 = vector.load %arg4[%get3A_373, %get3A_374] : memref<1500x1536xbf16, #tpu.memory_space<vmem>>, vector<1500x1536xbf16>
    %dot_general3A_376 = arith.constant dense<0.000000e+00> : vector<256x1536xf32>
    %dot_general3A_377 = tpu.matmul %convert_element_type3A_369, %get3A_375, %dot_general3A_376 {dimension_numbers = #tpu.dot_dimension_numbers<[1], [0], [0], [1], [0, 0, 1, 1], [], []>, transpose_lhs_hint = false} : vector<256x1500xbf16>, vector<1500x1536xbf16>, vector<256x1536xf32> -> vector<256x1536xf32>
    %get3A_378 = arith.constant 0 : index
    %get3A_379 = arith.constant 0 : index
    %get3A_380 = vector.load %arg5[%get3A_378, %get3A_379] : memref<1500x1536xbf16, #tpu.memory_space<vmem>>, vector<1500x1536xbf16>
    %dot_general3A_381 = arith.constant dense<0.000000e+00> : vector<256x1536xf32>
    %dot_general3A_382 = tpu.matmul %convert_element_type3A_369, %get3A_380, %dot_general3A_381 {dimension_numbers = #tpu.dot_dimension_numbers<[1], [0], [0], [1], [0, 0, 1, 1], [], []>, transpose_lhs_hint = false} : vector<256x1500xbf16>, vector<1500x1536xbf16>, vector<256x1536xf32> -> vector<256x1536xf32>
    %add3A_383 = arith.addf %dot_general3A_377, %dot_general3A_382 : vector<256x1536xf32>
    %get3A_384 = arith.constant 0 : index
    %get3A_385 = arith.constant 0 : index
    %get3A_386 = vector.load %arg4[%get3A_384, %get3A_385] : memref<1500x1536xbf16, #tpu.memory_space<vmem>>, vector<1500x1536xbf16>
    %dot_general3A_387 = arith.constant dense<0.000000e+00> : vector<256x1536xf32>
    %dot_general3A_388 = tpu.matmul %convert_element_type3A_372, %get3A_386, %dot_general3A_387 {dimension_numbers = #tpu.dot_dimension_numbers<[1], [0], [0], [1], [0, 0, 1, 1], [], []>, transpose_lhs_hint = false} : vector<256x1500xbf16>, vector<1500x1536xbf16>, vector<256x1536xf32> -> vector<256x1536xf32>
    %add3A_389 = arith.addf %add3A_383, %dot_general3A_388 : vector<256x1536xf32>
    %slice3A_390 = vector.extract_strided_slice %add3A_368 {offsets = [0, 0], sizes = [256, 768], strides = [1, 1]} : vector<256x1536xf32> to vector<256x768xf32>
    %slice3A_391 = vector.extract_strided_slice %add3A_368 {offsets = [0, 0], sizes = [256, 768], strides = [1, 1]} : vector<256x1536xf32> to vector<256x768xf32>
    %mul3A_392 = arith.mulf %slice3A_390, %slice3A_391 : vector<256x768xf32>
    %slice3A_393 = vector.extract_strided_slice %add3A_368 {offsets = [0, 768], sizes = [256, 768], strides = [1, 1]} : vector<256x1536xf32> to vector<256x768xf32>
    %slice3A_394 = vector.extract_strided_slice %add3A_368 {offsets = [0, 768], sizes = [256, 768], strides = [1, 1]} : vector<256x1536xf32> to vector<256x768xf32>
    %mul3A_395 = arith.mulf %slice3A_393, %slice3A_394 : vector<256x768xf32>
    %add3A_396 = arith.addf %mul3A_392, %mul3A_395 : vector<256x768xf32>
    %slice3A_397 = vector.extract_strided_slice %add3A_389 {offsets = [0, 0], sizes = [256, 768], strides = [1, 1]} : vector<256x1536xf32> to vector<256x768xf32>
    %slice3A_398 = vector.extract_strided_slice %add3A_389 {offsets = [0, 0], sizes = [256, 768], strides = [1, 1]} : vector<256x1536xf32> to vector<256x768xf32>
    %mul3A_399 = arith.mulf %slice3A_397, %slice3A_398 : vector<256x768xf32>
    %slice3A_400 = vector.extract_strided_slice %add3A_389 {offsets = [0, 768], sizes = [256, 768], strides = [1, 1]} : vector<256x1536xf32> to vector<256x768xf32>
    %slice3A_401 = vector.extract_strided_slice %add3A_389 {offsets = [0, 768], sizes = [256, 768], strides = [1, 1]} : vector<256x1536xf32> to vector<256x768xf32>
    %mul3A_402 = arith.mulf %slice3A_400, %slice3A_401 : vector<256x768xf32>
    %add3A_403 = arith.addf %mul3A_399, %mul3A_402 : vector<256x768xf32>
    %iota3A_404 = tpu.iota {dimensions = array<i32: 1>} : vector<256x768xi32>
    %bitcast_convert_type3A_405 = tpu.bitcast %add3A_396 : vector<256x768xf32> -> vector<256x768xi32>
    %bitcast_convert_type3A_406 = tpu.bitcast %add3A_403 : vector<256x768xf32> -> vector<256x768xi32>
    %le3A_407 = arith.constant 750 : i32
    %le3A_408 = vector.broadcast %le3A_407 : i32 to vector<256x768xi32>
    %le3A_409 = arith.cmpi sle, %iota3A_404, %le3A_408 : vector<256x768xi32>
    %and3A_410 = arith.constant -4096 : i32
    %and3A_411 = vector.broadcast %and3A_410 : i32 to vector<256x768xi32>
    %and3A_412 = arith.andi %bitcast_convert_type3A_405, %and3A_411 : vector<256x768xi32>
    %mul3A_413 = arith.constant 2 : i32
    %mul3A_414 = vector.broadcast %mul3A_413 : i32 to vector<256x768xi32>
    %mul3A_415 = arith.muli %mul3A_414, %iota3A_404 : vector<256x768xi32>
    %sub3A_416 = arith.constant 4095 : i32
    %sub3A_417 = vector.broadcast %sub3A_416 : i32 to vector<256x768xi32>
    %sub3A_418 = arith.subi %sub3A_417, %mul3A_415 : vector<256x768xi32>
    %or3A_419 = arith.ori %and3A_412, %sub3A_418 : vector<256x768xi32>
    %jit3A_420 = arith.constant -2 : i32
    %broadcast_in_dim3A_421 = vector.broadcast %jit3A_420 : i32 to vector<256x768xi32>
    %select_n3A_422 = arith.select %le3A_409, %or3A_419, %broadcast_in_dim3A_421 : vector<256x768xi1>, vector<256x768xi32>
    %le3A_423 = arith.constant 749 : i32
    %le3A_424 = vector.broadcast %le3A_423 : i32 to vector<256x768xi32>
    %le3A_425 = arith.cmpi sle, %iota3A_404, %le3A_424 : vector<256x768xi32>
    %and3A_426 = arith.constant -4096 : i32
    %and3A_427 = vector.broadcast %and3A_426 : i32 to vector<256x768xi32>
    %and3A_428 = arith.andi %bitcast_convert_type3A_406, %and3A_427 : vector<256x768xi32>
    %mul3A_429 = arith.constant 2 : i32
    %mul3A_430 = vector.broadcast %mul3A_429 : i32 to vector<256x768xi32>
    %mul3A_431 = arith.muli %mul3A_430, %iota3A_404 : vector<256x768xi32>
    %add3A_432 = arith.constant 1 : i32
    %add3A_433 = vector.broadcast %add3A_432 : i32 to vector<256x768xi32>
    %add3A_434 = arith.addi %mul3A_431, %add3A_433 : vector<256x768xi32>
    %sub3A_435 = arith.constant 4095 : i32
    %sub3A_436 = vector.broadcast %sub3A_435 : i32 to vector<256x768xi32>
    %sub3A_437 = arith.subi %sub3A_436, %add3A_434 : vector<256x768xi32>
    %or3A_438 = arith.ori %and3A_428, %sub3A_437 : vector<256x768xi32>
    %jit3A_439 = arith.constant -2 : i32
    %broadcast_in_dim3A_440 = vector.broadcast %jit3A_439 : i32 to vector<256x768xi32>
    %select_n3A_441 = arith.select %le3A_425, %or3A_438, %broadcast_in_dim3A_440 : vector<256x768xi1>, vector<256x768xi32>
    %concatenate3A_442 = tpu.concatenate %select_n3A_422, %select_n3A_441 in 1 : vector<256x768xi32>, vector<256x768xi32> -> vector<256x1536xi32>
    %reduce_max3A_443 = arith.constant dense<-2147483648> : vector<256xi32>
    %reduce_max3A_444 = vector.multi_reduction <maxsi>, %concatenate3A_442, %reduce_max3A_443 [1] : vector<256x1536xi32> to vector<256xi32>
    %broadcast_in_dim3A_445 = vector.shape_cast %reduce_max3A_444 : vector<256xi32> to vector<256x1xi32>
    %eq3A_446 = vector.broadcast %broadcast_in_dim3A_445 : vector<256x1xi32> to vector<256x1536xi32>
    %eq3A_447 = arith.cmpi eq, %concatenate3A_442, %eq3A_446 : vector<256x1536xi32>
    %jit3A_448 = arith.constant -1 : i32
    %broadcast_in_dim3A_449 = vector.broadcast %jit3A_448 : i32 to vector<256x1536xi32>
    %select_n3A_450 = arith.select %eq3A_447, %broadcast_in_dim3A_449, %concatenate3A_442 : vector<256x1536xi1>, vector<256x1536xi32>
    %and3A_451 = arith.constant 4095 : i32
    %and3A_452 = vector.broadcast %and3A_451 : i32 to vector<256x1xi32>
    %and3A_453 = arith.andi %broadcast_in_dim3A_445, %and3A_452 : vector<256x1xi32>
    %sub3A_454 = arith.constant 4095 : i32
    %sub3A_455 = vector.broadcast %sub3A_454 : i32 to vector<256x1xi32>
    %sub3A_456 = arith.subi %sub3A_455, %and3A_453 : vector<256x1xi32>
    %eq3A_457 = arith.constant 0 : i32
    %eq3A_458 = vector.broadcast %eq3A_457 : i32 to vector<256x1xi32>
    %eq3A_459 = arith.cmpi eq, %sub3A_456, %eq3A_458 : vector<256x1xi32>
    %eq3A_460 = arith.constant 1500 : i32
    %eq3A_461 = vector.broadcast %eq3A_460 : i32 to vector<256x1xi32>
    %eq3A_462 = arith.cmpi eq, %sub3A_456, %eq3A_461 : vector<256x1xi32>
    %or3A_463 = arith.ori %eq3A_459, %eq3A_462 : vector<256x1xi1>
    %jit3A_464 = arith.constant 1 : i32
    %jit3A_465 = arith.constant 2 : i32
    %broadcast_in_dim3A_466 = vector.broadcast %jit3A_464 : i32 to vector<256x1xi32>
    %broadcast_in_dim3A_467 = vector.broadcast %jit3A_465 : i32 to vector<256x1xi32>
    %select_n3A_468 = arith.select %or3A_463, %broadcast_in_dim3A_466, %broadcast_in_dim3A_467 : vector<256x1xi1>, vector<256x1xi32>
    %reduce_max3A_469 = arith.constant dense<-2147483648> : vector<256xi32>
    %reduce_max3A_470 = vector.multi_reduction <maxsi>, %select_n3A_450, %reduce_max3A_469 [1] : vector<256x1536xi32> to vector<256xi32>
    %broadcast_in_dim3A_471 = vector.shape_cast %reduce_max3A_470 : vector<256xi32> to vector<256x1xi32>
    %eq3A_472 = vector.broadcast %broadcast_in_dim3A_471 : vector<256x1xi32> to vector<256x1536xi32>
    %eq3A_473 = arith.cmpi eq, %select_n3A_450, %eq3A_472 : vector<256x1536xi32>
    %jit3A_474 = arith.constant -1 : i32
    %broadcast_in_dim3A_475 = vector.broadcast %jit3A_474 : i32 to vector<256x1536xi32>
    %select_n3A_476 = arith.select %eq3A_473, %broadcast_in_dim3A_475, %select_n3A_450 : vector<256x1536xi1>, vector<256x1536xi32>
    %and3A_477 = arith.constant 4095 : i32
    %and3A_478 = vector.broadcast %and3A_477 : i32 to vector<256x1xi32>
    %and3A_479 = arith.andi %broadcast_in_dim3A_471, %and3A_478 : vector<256x1xi32>
    %sub3A_480 = arith.constant 4095 : i32
    %sub3A_481 = vector.broadcast %sub3A_480 : i32 to vector<256x1xi32>
    %sub3A_482 = arith.subi %sub3A_481, %and3A_479 : vector<256x1xi32>
    %eq3A_483 = arith.constant 0 : i32
    %eq3A_484 = vector.broadcast %eq3A_483 : i32 to vector<256x1xi32>
    %eq3A_485 = arith.cmpi eq, %sub3A_482, %eq3A_484 : vector<256x1xi32>
    %eq3A_486 = arith.constant 1500 : i32
    %eq3A_487 = vector.broadcast %eq3A_486 : i32 to vector<256x1xi32>
    %eq3A_488 = arith.cmpi eq, %sub3A_482, %eq3A_487 : vector<256x1xi32>
    %or3A_489 = arith.ori %eq3A_485, %eq3A_488 : vector<256x1xi1>
    %jit3A_490 = arith.constant 1 : i32
    %jit3A_491 = arith.constant 2 : i32
    %broadcast_in_dim3A_492 = vector.broadcast %jit3A_490 : i32 to vector<256x1xi32>
    %broadcast_in_dim3A_493 = vector.broadcast %jit3A_491 : i32 to vector<256x1xi32>
    %select_n3A_494 = arith.select %or3A_489, %broadcast_in_dim3A_492, %broadcast_in_dim3A_493 : vector<256x1xi1>, vector<256x1xi32>
    %reduce_max3A_495 = arith.constant dense<-2147483648> : vector<256xi32>
    %reduce_max3A_496 = vector.multi_reduction <maxsi>, %select_n3A_476, %reduce_max3A_495 [1] : vector<256x1536xi32> to vector<256xi32>
    %broadcast_in_dim3A_497 = vector.shape_cast %reduce_max3A_496 : vector<256xi32> to vector<256x1xi32>
    %eq3A_498 = vector.broadcast %broadcast_in_dim3A_497 : vector<256x1xi32> to vector<256x1536xi32>
    %eq3A_499 = arith.cmpi eq, %select_n3A_476, %eq3A_498 : vector<256x1536xi32>
    %jit3A_500 = arith.constant -1 : i32
    %broadcast_in_dim3A_501 = vector.broadcast %jit3A_500 : i32 to vector<256x1536xi32>
    %select_n3A_502 = arith.select %eq3A_499, %broadcast_in_dim3A_501, %select_n3A_476 : vector<256x1536xi1>, vector<256x1536xi32>
    %and3A_503 = arith.constant 4095 : i32
    %and3A_504 = vector.broadcast %and3A_503 : i32 to vector<256x1xi32>
    %and3A_505 = arith.andi %broadcast_in_dim3A_497, %and3A_504 : vector<256x1xi32>
    %sub3A_506 = arith.constant 4095 : i32
    %sub3A_507 = vector.broadcast %sub3A_506 : i32 to vector<256x1xi32>
    %sub3A_508 = arith.subi %sub3A_507, %and3A_505 : vector<256x1xi32>
    %eq3A_509 = arith.constant 0 : i32
    %eq3A_510 = vector.broadcast %eq3A_509 : i32 to vector<256x1xi32>
    %eq3A_511 = arith.cmpi eq, %sub3A_508, %eq3A_510 : vector<256x1xi32>
    %eq3A_512 = arith.constant 1500 : i32
    %eq3A_513 = vector.broadcast %eq3A_512 : i32 to vector<256x1xi32>
    %eq3A_514 = arith.cmpi eq, %sub3A_508, %eq3A_513 : vector<256x1xi32>
    %or3A_515 = arith.ori %eq3A_511, %eq3A_514 : vector<256x1xi1>
    %jit3A_516 = arith.constant 1 : i32
    %jit3A_517 = arith.constant 2 : i32
    %broadcast_in_dim3A_518 = vector.broadcast %jit3A_516 : i32 to vector<256x1xi32>
    %broadcast_in_dim3A_519 = vector.broadcast %jit3A_517 : i32 to vector<256x1xi32>
    %select_n3A_520 = arith.select %or3A_515, %broadcast_in_dim3A_518, %broadcast_in_dim3A_519 : vector<256x1xi1>, vector<256x1xi32>
    %reduce_max3A_521 = arith.constant dense<-2147483648> : vector<256xi32>
    %reduce_max3A_522 = vector.multi_reduction <maxsi>, %select_n3A_502, %reduce_max3A_521 [1] : vector<256x1536xi32> to vector<256xi32>
    %broadcast_in_dim3A_523 = vector.shape_cast %reduce_max3A_522 : vector<256xi32> to vector<256x1xi32>
    %and3A_524 = arith.constant 4095 : i32
    %and3A_525 = vector.broadcast %and3A_524 : i32 to vector<256x1xi32>
    %and3A_526 = arith.andi %broadcast_in_dim3A_523, %and3A_525 : vector<256x1xi32>
    %sub3A_527 = arith.constant 4095 : i32
    %sub3A_528 = vector.broadcast %sub3A_527 : i32 to vector<256x1xi32>
    %sub3A_529 = arith.subi %sub3A_528, %and3A_526 : vector<256x1xi32>
    %eq3A_530 = arith.constant 0 : i32
    %eq3A_531 = vector.broadcast %eq3A_530 : i32 to vector<256x1xi32>
    %eq3A_532 = arith.cmpi eq, %sub3A_529, %eq3A_531 : vector<256x1xi32>
    %eq3A_533 = arith.constant 1500 : i32
    %eq3A_534 = vector.broadcast %eq3A_533 : i32 to vector<256x1xi32>
    %eq3A_535 = arith.cmpi eq, %sub3A_529, %eq3A_534 : vector<256x1xi32>
    %or3A_536 = arith.ori %eq3A_532, %eq3A_535 : vector<256x1xi1>
    %jit3A_537 = arith.constant 1 : i32
    %jit3A_538 = arith.constant 2 : i32
    %broadcast_in_dim3A_539 = vector.broadcast %jit3A_537 : i32 to vector<256x1xi32>
    %broadcast_in_dim3A_540 = vector.broadcast %jit3A_538 : i32 to vector<256x1xi32>
    %select_n3A_541 = arith.select %or3A_536, %broadcast_in_dim3A_539, %broadcast_in_dim3A_540 : vector<256x1xi1>, vector<256x1xi32>
    %broadcast_in_dim3A_542 = arith.constant 0 : i32
    %broadcast_in_dim3A_543 = vector.broadcast %broadcast_in_dim3A_542 : i32 to vector<256x1xi32>
    %add3A_544 = arith.addi %select_n3A_468, %select_n3A_494 : vector<256x1xi32>
    %add3A_545 = arith.addi %add3A_544, %select_n3A_520 : vector<256x1xi32>
    %le3A_546 = arith.constant 1 : i32
    %le3A_547 = vector.broadcast %le3A_546 : i32 to vector<256x1xi32>
    %le3A_548 = arith.cmpi sle, %broadcast_in_dim3A_543, %le3A_547 : vector<256x1xi32>
    %add3A_549 = arith.addi %broadcast_in_dim3A_543, %select_n3A_468 : vector<256x1xi32>
    %gt3A_550 = arith.constant 1 : i32
    %gt3A_551 = vector.broadcast %gt3A_550 : i32 to vector<256x1xi32>
    %gt3A_552 = arith.cmpi sgt, %add3A_549, %gt3A_551 : vector<256x1xi32>
    %and3A_553 = arith.andi %le3A_548, %gt3A_552 : vector<256x1xi1>
    %convert_element_type3A_554 = arith.extui %and3A_553 : vector<256x1xi1> to vector<256x1xi32>
    %mul3A_555 = arith.muli %sub3A_456, %convert_element_type3A_554 : vector<256x1xi32>
    %add3A_556 = arith.constant 0 : i32
    %add3A_557 = vector.broadcast %add3A_556 : i32 to vector<256x1xi32>
    %add3A_558 = arith.addi %add3A_557, %mul3A_555 : vector<256x1xi32>
    %le3A_559 = arith.constant 1 : i32
    %le3A_560 = vector.broadcast %le3A_559 : i32 to vector<256x1xi32>
    %le3A_561 = arith.cmpi sle, %select_n3A_468, %le3A_560 : vector<256x1xi32>
    %add3A_562 = arith.addi %select_n3A_468, %select_n3A_494 : vector<256x1xi32>
    %gt3A_563 = arith.constant 1 : i32
    %gt3A_564 = vector.broadcast %gt3A_563 : i32 to vector<256x1xi32>
    %gt3A_565 = arith.cmpi sgt, %add3A_562, %gt3A_564 : vector<256x1xi32>
    %and3A_566 = arith.andi %le3A_561, %gt3A_565 : vector<256x1xi1>
    %convert_element_type3A_567 = arith.extui %and3A_566 : vector<256x1xi1> to vector<256x1xi32>
    %mul3A_568 = arith.muli %sub3A_482, %convert_element_type3A_567 : vector<256x1xi32>
    %add3A_569 = arith.addi %add3A_558, %mul3A_568 : vector<256x1xi32>
    %le3A_570 = arith.constant 1 : i32
    %le3A_571 = vector.broadcast %le3A_570 : i32 to vector<256x1xi32>
    %le3A_572 = arith.cmpi sle, %add3A_544, %le3A_571 : vector<256x1xi32>
    %add3A_573 = arith.addi %add3A_544, %select_n3A_520 : vector<256x1xi32>
    %gt3A_574 = arith.constant 1 : i32
    %gt3A_575 = vector.broadcast %gt3A_574 : i32 to vector<256x1xi32>
    %gt3A_576 = arith.cmpi sgt, %add3A_573, %gt3A_575 : vector<256x1xi32>
    %and3A_577 = arith.andi %le3A_572, %gt3A_576 : vector<256x1xi1>
    %convert_element_type3A_578 = arith.extui %and3A_577 : vector<256x1xi1> to vector<256x1xi32>
    %mul3A_579 = arith.muli %sub3A_508, %convert_element_type3A_578 : vector<256x1xi32>
    %add3A_580 = arith.addi %add3A_569, %mul3A_579 : vector<256x1xi32>
    %le3A_581 = arith.constant 1 : i32
    %le3A_582 = vector.broadcast %le3A_581 : i32 to vector<256x1xi32>
    %le3A_583 = arith.cmpi sle, %add3A_545, %le3A_582 : vector<256x1xi32>
    %add3A_584 = arith.addi %add3A_545, %select_n3A_541 : vector<256x1xi32>
    %gt3A_585 = arith.constant 1 : i32
    %gt3A_586 = vector.broadcast %gt3A_585 : i32 to vector<256x1xi32>
    %gt3A_587 = arith.cmpi sgt, %add3A_584, %gt3A_586 : vector<256x1xi32>
    %and3A_588 = arith.andi %le3A_583, %gt3A_587 : vector<256x1xi1>
    %convert_element_type3A_589 = arith.extui %and3A_588 : vector<256x1xi1> to vector<256x1xi32>
    %mul3A_590 = arith.muli %sub3A_529, %convert_element_type3A_589 : vector<256x1xi32>
    %add3A_591 = arith.addi %add3A_580, %mul3A_590 : vector<256x1xi32>
    %le3A_592 = arith.constant 3 : i32
    %le3A_593 = vector.broadcast %le3A_592 : i32 to vector<256x1xi32>
    %le3A_594 = arith.cmpi sle, %broadcast_in_dim3A_543, %le3A_593 : vector<256x1xi32>
    %add3A_595 = arith.addi %broadcast_in_dim3A_543, %select_n3A_468 : vector<256x1xi32>
    %gt3A_596 = arith.constant 3 : i32
    %gt3A_597 = vector.broadcast %gt3A_596 : i32 to vector<256x1xi32>
    %gt3A_598 = arith.cmpi sgt, %add3A_595, %gt3A_597 : vector<256x1xi32>
    %and3A_599 = arith.andi %le3A_594, %gt3A_598 : vector<256x1xi1>
    %convert_element_type3A_600 = arith.extui %and3A_599 : vector<256x1xi1> to vector<256x1xi32>
    %mul3A_601 = arith.muli %sub3A_456, %convert_element_type3A_600 : vector<256x1xi32>
    %add3A_602 = arith.constant 0 : i32
    %add3A_603 = vector.broadcast %add3A_602 : i32 to vector<256x1xi32>
    %add3A_604 = arith.addi %add3A_603, %mul3A_601 : vector<256x1xi32>
    %le3A_605 = arith.constant 3 : i32
    %le3A_606 = vector.broadcast %le3A_605 : i32 to vector<256x1xi32>
    %le3A_607 = arith.cmpi sle, %select_n3A_468, %le3A_606 : vector<256x1xi32>
    %add3A_608 = arith.addi %select_n3A_468, %select_n3A_494 : vector<256x1xi32>
    %gt3A_609 = arith.constant 3 : i32
    %gt3A_610 = vector.broadcast %gt3A_609 : i32 to vector<256x1xi32>
    %gt3A_611 = arith.cmpi sgt, %add3A_608, %gt3A_610 : vector<256x1xi32>
    %and3A_612 = arith.andi %le3A_607, %gt3A_611 : vector<256x1xi1>
    %convert_element_type3A_613 = arith.extui %and3A_612 : vector<256x1xi1> to vector<256x1xi32>
    %mul3A_614 = arith.muli %sub3A_482, %convert_element_type3A_613 : vector<256x1xi32>
    %add3A_615 = arith.addi %add3A_604, %mul3A_614 : vector<256x1xi32>
    %le3A_616 = arith.constant 3 : i32
    %le3A_617 = vector.broadcast %le3A_616 : i32 to vector<256x1xi32>
    %le3A_618 = arith.cmpi sle, %add3A_544, %le3A_617 : vector<256x1xi32>
    %add3A_619 = arith.addi %add3A_544, %select_n3A_520 : vector<256x1xi32>
    %gt3A_620 = arith.constant 3 : i32
    %gt3A_621 = vector.broadcast %gt3A_620 : i32 to vector<256x1xi32>
    %gt3A_622 = arith.cmpi sgt, %add3A_619, %gt3A_621 : vector<256x1xi32>
    %and3A_623 = arith.andi %le3A_618, %gt3A_622 : vector<256x1xi1>
    %convert_element_type3A_624 = arith.extui %and3A_623 : vector<256x1xi1> to vector<256x1xi32>
    %mul3A_625 = arith.muli %sub3A_508, %convert_element_type3A_624 : vector<256x1xi32>
    %add3A_626 = arith.addi %add3A_615, %mul3A_625 : vector<256x1xi32>
    %le3A_627 = arith.constant 3 : i32
    %le3A_628 = vector.broadcast %le3A_627 : i32 to vector<256x1xi32>
    %le3A_629 = arith.cmpi sle, %add3A_545, %le3A_628 : vector<256x1xi32>
    %add3A_630 = arith.addi %add3A_545, %select_n3A_541 : vector<256x1xi32>
    %gt3A_631 = arith.constant 3 : i32
    %gt3A_632 = vector.broadcast %gt3A_631 : i32 to vector<256x1xi32>
    %gt3A_633 = arith.cmpi sgt, %add3A_630, %gt3A_632 : vector<256x1xi32>
    %and3A_634 = arith.andi %le3A_629, %gt3A_633 : vector<256x1xi1>
    %convert_element_type3A_635 = arith.extui %and3A_634 : vector<256x1xi1> to vector<256x1xi32>
    %mul3A_636 = arith.muli %sub3A_529, %convert_element_type3A_635 : vector<256x1xi32>
    %add3A_637 = arith.addi %add3A_626, %mul3A_636 : vector<256x1xi32>
    %le3A_638 = arith.constant 5 : i32
    %le3A_639 = vector.broadcast %le3A_638 : i32 to vector<256x1xi32>
    %le3A_640 = arith.cmpi sle, %broadcast_in_dim3A_543, %le3A_639 : vector<256x1xi32>
    %add3A_641 = arith.addi %broadcast_in_dim3A_543, %select_n3A_468 : vector<256x1xi32>
    %gt3A_642 = arith.constant 5 : i32
    %gt3A_643 = vector.broadcast %gt3A_642 : i32 to vector<256x1xi32>
    %gt3A_644 = arith.cmpi sgt, %add3A_641, %gt3A_643 : vector<256x1xi32>
    %and3A_645 = arith.andi %le3A_640, %gt3A_644 : vector<256x1xi1>
    %convert_element_type3A_646 = arith.extui %and3A_645 : vector<256x1xi1> to vector<256x1xi32>
    %mul3A_647 = arith.muli %sub3A_456, %convert_element_type3A_646 : vector<256x1xi32>
    %add3A_648 = arith.constant 0 : i32
    %add3A_649 = vector.broadcast %add3A_648 : i32 to vector<256x1xi32>
    %add3A_650 = arith.addi %add3A_649, %mul3A_647 : vector<256x1xi32>
    %le3A_651 = arith.constant 5 : i32
    %le3A_652 = vector.broadcast %le3A_651 : i32 to vector<256x1xi32>
    %le3A_653 = arith.cmpi sle, %select_n3A_468, %le3A_652 : vector<256x1xi32>
    %add3A_654 = arith.addi %select_n3A_468, %select_n3A_494 : vector<256x1xi32>
    %gt3A_655 = arith.constant 5 : i32
    %gt3A_656 = vector.broadcast %gt3A_655 : i32 to vector<256x1xi32>
    %gt3A_657 = arith.cmpi sgt, %add3A_654, %gt3A_656 : vector<256x1xi32>
    %and3A_658 = arith.andi %le3A_653, %gt3A_657 : vector<256x1xi1>
    %convert_element_type3A_659 = arith.extui %and3A_658 : vector<256x1xi1> to vector<256x1xi32>
    %mul3A_660 = arith.muli %sub3A_482, %convert_element_type3A_659 : vector<256x1xi32>
    %add3A_661 = arith.addi %add3A_650, %mul3A_660 : vector<256x1xi32>
    %le3A_662 = arith.constant 5 : i32
    %le3A_663 = vector.broadcast %le3A_662 : i32 to vector<256x1xi32>
    %le3A_664 = arith.cmpi sle, %add3A_544, %le3A_663 : vector<256x1xi32>
    %add3A_665 = arith.addi %add3A_544, %select_n3A_520 : vector<256x1xi32>
    %gt3A_666 = arith.constant 5 : i32
    %gt3A_667 = vector.broadcast %gt3A_666 : i32 to vector<256x1xi32>
    %gt3A_668 = arith.cmpi sgt, %add3A_665, %gt3A_667 : vector<256x1xi32>
    %and3A_669 = arith.andi %le3A_664, %gt3A_668 : vector<256x1xi1>
    %convert_element_type3A_670 = arith.extui %and3A_669 : vector<256x1xi1> to vector<256x1xi32>
    %mul3A_671 = arith.muli %sub3A_508, %convert_element_type3A_670 : vector<256x1xi32>
    %add3A_672 = arith.addi %add3A_661, %mul3A_671 : vector<256x1xi32>
    %le3A_673 = arith.constant 5 : i32
    %le3A_674 = vector.broadcast %le3A_673 : i32 to vector<256x1xi32>
    %le3A_675 = arith.cmpi sle, %add3A_545, %le3A_674 : vector<256x1xi32>
    %add3A_676 = arith.addi %add3A_545, %select_n3A_541 : vector<256x1xi32>
    %gt3A_677 = arith.constant 5 : i32
    %gt3A_678 = vector.broadcast %gt3A_677 : i32 to vector<256x1xi32>
    %gt3A_679 = arith.cmpi sgt, %add3A_676, %gt3A_678 : vector<256x1xi32>
    %and3A_680 = arith.andi %le3A_675, %gt3A_679 : vector<256x1xi1>
    %convert_element_type3A_681 = arith.extui %and3A_680 : vector<256x1xi1> to vector<256x1xi32>
    %mul3A_682 = arith.muli %sub3A_529, %convert_element_type3A_681 : vector<256x1xi32>
    %add3A_683 = arith.addi %add3A_672, %mul3A_682 : vector<256x1xi32>
    %iota3A_684 = tpu.iota {dimensions = array<i32: 1>} : vector<256x3xi32>
    %eq3A_685 = arith.constant 0 : i32
    %eq3A_686 = vector.broadcast %eq3A_685 : i32 to vector<256x3xi32>
    %eq3A_687 = arith.cmpi eq, %iota3A_684, %eq3A_686 : vector<256x3xi32>
    %eq3A_688 = arith.constant 1 : i32
    %eq3A_689 = vector.broadcast %eq3A_688 : i32 to vector<256x3xi32>
    %eq3A_690 = arith.cmpi eq, %iota3A_684, %eq3A_689 : vector<256x3xi32>
    %broadcast_in_dim3A_691 = vector.shape_cast %add3A_637 : vector<256x1xi32> to vector<256x1xi32>
    %broadcast_in_dim3A_692 = vector.broadcast %broadcast_in_dim3A_691 : vector<256x1xi32> to vector<256x3xi32>
    %broadcast_in_dim3A_693 = vector.shape_cast %add3A_683 : vector<256x1xi32> to vector<256x1xi32>
    %broadcast_in_dim3A_694 = vector.broadcast %broadcast_in_dim3A_693 : vector<256x1xi32> to vector<256x3xi32>
    %select_n3A_695 = arith.select %eq3A_690, %broadcast_in_dim3A_692, %broadcast_in_dim3A_694 : vector<256x3xi1>, vector<256x3xi32>
    %broadcast_in_dim3A_696 = vector.shape_cast %add3A_591 : vector<256x1xi32> to vector<256x1xi32>
    %broadcast_in_dim3A_697 = vector.broadcast %broadcast_in_dim3A_696 : vector<256x1xi32> to vector<256x3xi32>
    %select_n3A_698 = arith.select %eq3A_687, %broadcast_in_dim3A_697, %select_n3A_695 : vector<256x3xi1>, vector<256x3xi32>
    %transpose3A_699 = tpu.transpose %select_n3A_698, [1, 0] : vector<256x3xi32> -> vector<3x256xi32>
    %swap3A_700 = arith.constant 0 : index
    %swap3A_701 = arith.constant 256 : index
    %swap3A_702 = vector.load %arg6[%swap3A_700, %swap3A_701] : memref<3x512xi32, #tpu.memory_space<vmem>>, vector<3x256xi32>
    tpu.vector_store %arg6[%swap3A_700, %swap3A_701], %transpose3A_699 {strides = array<i32>} : memref<3x512xi32, #tpu.memory_space<vmem>>, vector<3x256xi32>,
    return
  }
  func.func @transform_0(%arg0: i32) -> (i32, i32) {
    %c0_i32 = arith.constant 0 : i32
    %c0_i32_0 = arith.constant 0 : i32
    return %arg0, %c0_i32 : i32, i32
  }
  func.func @transform_1(%arg0: i32) -> (i32, i32) {
    %c0_i32 = arith.constant 0 : i32
    %c0_i32_0 = arith.constant 0 : i32
    %c0_i32_1 = arith.constant 0 : i32
    return %c0_i32, %c0_i32_0 : i32, i32
  }
  func.func @transform_2(%arg0: i32) -> (i32, i32) {
    %c0_i32 = arith.constant 0 : i32
    %c0_i32_0 = arith.constant 0 : i32
    %c0_i32_1 = arith.constant 0 : i32
    return %c0_i32, %c0_i32_0 : i32, i32
  }
  func.func @transform_3(%arg0: i32) -> (i32, i32) {
    %c0_i32 = arith.constant 0 : i32
    %c0_i32_0 = arith.constant 0 : i32
    %c0_i32_1 = arith.constant 0 : i32
    return %c0_i32, %c0_i32_0 : i32, i32
  }
  func.func @transform_4(%arg0: i32) -> (i32, i32) {
    %c0_i32 = arith.constant 0 : i32
    %c0_i32_0 = arith.constant 0 : i32
    %c0_i32_1 = arith.constant 0 : i32
    return %c0_i32, %c0_i32_0 : i32, i32
  }
  func.func @transform_5(%arg0: i32) -> (i32, i32) {
    %c0_i32 = arith.constant 0 : i32
    %c0_i32_0 = arith.constant 0 : i32
    return %c0_i32, %arg0 : i32, i32
  }
}

</mosaic_0001>

<sc_bundles>
// kernel: kernel.4.cloned.1.call-start
scs
__scs_entry_jumppad:
0x0: {  	(pc) =	sbr.rel $0x88, $3  }
0x1: {  	(tag) =	ssettag $0x0;
	lr =	simm.s32 $0x1  }
0x2: {  	[smem:$0x3F9F] =	sst lr;
	_ =	strace $0xD0000000  }
0x3: {  	_ = 	snop  }
0x4: {  	_ = 	snop  }
0x5: {  	_ = 	snop  }
0x6: {  	_ = 	snop  }
0x7: {  	_ = 	snop  }
__scs_overlays_trampoline_lowered:
0x8: {  	[smem:$0x3FAE] =	sst s0  }
0x9: {  	[smem:$0x3FAF] =	sst s1  }
0xa: {  	[smem:$0x3FB0] =	sst s2  }
0xb: {  	[smem:$0x3FB1] =	sst s3  }
0xc: {  	[smem:$0x3FB2] =	sst s4  }
0xd: {  	[smem:$0x3FB3] =	sst s5  }
0xe: {  	[smem:$0x3FB4] =	sst s6  }
0xf: {  	[smem:$0x3FB5] =	sst s7  }
0x10: {  	[smem:$0x3FB6] =	sst s8  }
0x11: {  	[smem:$0x3FB7] =	sst s9;
	s0 =	simm.s32 @!p0 $0x0  }
0x12: {  	s1 =	sld [smem:$0x3F9D];
	s0 =	simm.s32 @p0 $0x1  }
0x13: {  	[smem:$0x3FB8] =	sst s0;
	s0 =	simm.s32 @!p1 $0x0  }
0x14: {  	s2 =	sld [smem:$0x3F9C];
	s0 =	simm.s32 @p1 $0x1  }
0x15: {  	[smem:$0x3FB9] =	sst s0;
	s0 =	simm.s32 @!p2 $0x0  }
0x16: {  	s3 =	sld [smem:$0x3FDB];
	s0 =	simm.s32 @p2 $0x1  }
0x17: {  	s4 =	simm.s32 $0x1BF5;
	[smem:$0x3FBB] =	sst s0  }
0x18: {  	s0 =	sld [smem:$0x3F9E];
	_ =	swait.ge [sflag:s4], $0x0  }
0x19: {  	s7 =	sld [smem:$0x3F9F]  }
0x1a: {  	s8 =	sadd.s32 $0xFFFFE003, lr  }
0x1b: {  	s9 =	sadd.s32 $0xFFFFFEF7, lr;
	s5 =	simm.s32 $0xFFFFFFFF;
	p2 =	slt.u32 s8, $0xFFFFF086  }
0x1c: {  	p1 =	slt.u32 s9, $0xF7A;
	s5 =	simm.s32 @!p2 $0x0  }
0x1d: {  	s5 =	simm.s32 @p1 $0x1;
	p0 =	seq.s32 s7, s2  }
0x1e: {  	s7 =	smul.u32 @!p0 $0xF7A, s2;
	p2 =	seq.s32 @!p0 s5, $0x0  }
0x1f: {  	s9 =	smul.u32 $0xF7A, s1;
	s8 =	simm.s32 @!p0 $0x1BF5;
	p2 =	por !p2, p0  }
0x20: {  	[sflag:s8] =	ssyncset.s32 @!p0 $0xFFFFF086;
	s6 =	sadd.s32 @!p0 s3, s7;
	s7 =	simm.s32 @!p0 $0x108  }
0x21: {  	s3 =	sadd.s32 s3, s9;
	s6 =	sadd.s32 @!p0 $0x88, s6;
	s7 =	simm.s32 @p2 $0x1082  }
0x22: {  	[simem:s7], [sflag:s8] =	dma.local @!p0 [hbm:s6], $0xF7A  }
0x23: {  	s9 =	sor.u32 $0xD0000000, s2;
	s6 =	simm.s32 $0x108;
	_ =	swait.ge @!p0 [sflag:s8], $0x0  }
0x24: {  	s3 =	sadd.s32 $0x88, s3;
	s6 =	simm.s32 @!p1 $0x1082;
	[sflag:s4] =	ssyncset.s32 $0xFFFFF086  }
0x25: {  	[simem:s6], [sflag:s4] =	dma.local [hbm:s3], $0xF7A  }
0x26: {  	[smem:$0x3F9F] =	sst s1;
	(tag) =	ssettag s2;
	_ =	strace s9  }
0x27: {  	s1 =	sld [smem:$0x3FAF]  }
0x28: {  	s2 =	sld [smem:$0x3FB0]  }
0x29: {  	s4 =	sld [smem:$0x3FB2]  }
0x2a: {  	p0 =	seq.s32 s5, $0x0;
	s5 =	sld [smem:$0x3FB3]  }
0x2b: {  	s6 =	sld [smem:$0x3FB4]  }
0x2c: {  	s7 =	sld [smem:$0x3FB5]  }
0x2d: {  	s3 =	simm.s32 $0x108;
	s8 =	sld [smem:$0x3FB6]  }
0x2e: {  	s3 =	simm.s32 @!p0 $0x1082;
	s9 =	sld [smem:$0x3FB7]  }
0x2f: {  	lr =	sadd.s32 s0, s3;
	s0 =	sld [smem:$0x3FAE]  }
0x30: {  	s3 =	sld [smem:$0x3FB1]  }
0x31: {  	[smem:$0x3FBA] =	sst s10  }
0x32: {  	s10 =	sld [smem:$0x3FB8];
	_ =	sdelay $0x3  }
0x33: {  	p0 =	seq.s32 s10, $0x1;
	s10 =	sld [smem:$0x3FBA];
	_ =	sdelay $0x3  }
0x34: {  	[smem:$0x3FBA] =	sst s10  }
0x35: {  	s10 =	sld [smem:$0x3FB9];
	_ =	sdelay $0x3  }
0x36: {  	p1 =	seq.s32 s10, $0x1;
	s10 =	sld [smem:$0x3FBA];
	_ =	sdelay $0x3  }
0x37: {  	[smem:$0x3FBA] =	sst s10  }
0x38: {  	s10 =	sld [smem:$0x3FBB]  }
0x39: {  	_ = 	snop;
	(pc) =	sbr.ind lr, $3  }
0x3a: {  	_ = 	snop  }
0x3b: {  	_ = 	snop  }
0x3c: {  	p2 =	seq.s32 s10, $0x1;
	s10 =	sld [smem:$0x3FBA]  }
0x3d: {  	_ =	shalt  }
0x3e: {  	_ =	shalt  }
0x3f: {  	_ =	shalt  }
0x40: {  	_ =	shalt  }
0x41: {  	_ =	shalt  }
0x42: {  	_ =	shalt  }
0x43: {  	_ =	shalt  }
0x44: {  	_ =	shalt  }
0x45: {  	_ =	shalt  }
0x46: {  	_ =	shalt  }
0x47: {  	_ =	shalt  }
0x48: {  	_ =	shalt  }
0x49: {  	_ =	shalt  }
0x4a: {  	_ =	shalt  }
0x4b: {  	_ =	shalt  }
0x4c: {  	_ =	shalt  }
0x4d: {  	_ =	shalt  }
0x4e: {  	_ =	shalt  }
0x4f: {  	_ =	shalt  }
0x50: {  	_ =	shalt  }
0x51: {  	_ =	shalt  }
0x52: {  	_ =	shalt  }
0x53: {  	_ =	shalt  }
0x54: {  	_ =	shalt  }
0x55: {  	_ =	shalt  }
0x56: {  	_ =	shalt  }
0x57: {  	_ =	shalt  }
0x58: {  	_ =	shalt  }
0x59: {  	_ =	shalt  }
0x5a: {  	_ =	shalt  }
0x5b: {  	_ =	shalt  }
0x5c: {  	_ =	shalt  }
0x5d: {  	_ =	shalt  }
0x5e: {  	_ =	shalt  }
0x5f: {  	_ =	shalt  }
0x60: {  	_ =	shalt  }
0x61: {  	_ =	shalt  }
0x62: {  	_ =	shalt  }
0x63: {  	_ =	shalt  }
0x64: {  	_ =	shalt  }
0x65: {  	_ =	shalt  }
0x66: {  	_ =	shalt  }
0x67: {  	_ =	shalt  }
0x68: {  	_ =	shalt  }
0x69: {  	_ =	shalt  }
0x6a: {  	_ =	shalt  }
0x6b: {  	_ =	shalt  }
0x6c: {  	_ =	shalt  }
0x6d: {  	_ =	shalt  }
0x6e: {  	_ =	shalt  }
0x6f: {  	_ =	shalt  }
0x70: {  	_ =	shalt  }
0x71: {  	_ =	shalt  }
0x72: {  	_ =	shalt  }
0x73: {  	_ =	shalt  }
0x74: {  	_ =	shalt  }
0x75: {  	_ =	shalt  }
0x76: {  	_ =	shalt  }
0x77: {  	_ =	shalt  }
0x78: {  	_ =	shalt  }
0x79: {  	_ =	shalt  }
0x7a: {  	_ =	shalt  }
0x7b: {  	_ =	shalt  }
0x7c: {  	_ =	shalt  }
0x7d: {  	_ =	shalt  }
0x7e: {  	_ =	shalt  }
0x7f: {  	_ =	shalt  }
0x80: {  	_ =	shalt  }
0x81: {  	_ =	shalt  }
0x82: {  	_ =	shalt  }
0x83: {  	_ =	shalt  }
0x84: {  	_ =	shalt  }
0x85: {  	_ =	shalt  }
0x86: {  	_ =	shalt  }
0x87: {  	_ =	shalt  }
.Lfunc_end0:
.L_simem_size_0:
called_computation_lowered:
.L_overlay_start_0:
0x88: {  	s2 =	sld [smem:$0x3FD9]  }
0x89: {  	s3 =	sld [smem:$0x3FFE];
	_ =	sdelay $0x1  }
0x8a: {  	s1 =	srdreg.scid  }
0x8b: {  	s0 =	sand.u32 $0x1, s1  }
0x8c: {  	s17 =	sshll.u32 s0, $0xA;
	s2 =	sadd.s32 s3, s2  }
0x8d: {  	s2 =	sadd.s32 s2, s17  }
0x8e: {  	[smem:$0x3FC6] =	sst s2  }
0x8f: {  	_ = 	snop  }
0x90: {  	s2 =	sld [smem:$0x3FD0];
	(tm) =	ssettm $0x1  }
0x91: {  	s18 =	sld [smem:$0x3FFB];
	_ =	sdelay $0x3  }
0x92: {  	_ =	strace s18  }
0x93: {  	s3 =	sld [smem:$0x3FFC];
	_ =	sdelay $0x3  }
0x94: {  	_ =	strace s3  }
0x95: {  	s3 =	sld [smem:$0x3FFD];
	_ =	sdelay $0x3  }
0x96: {  	_ =	strace s3  }
0x97: {  	_ =	strace $0x8FFFFFFF  }
0x98: {  	s19 =	sld [smem:$0x3FDB];
	_ =	sdelay $0x1  }
0x99: {  	s4 =	simm.s32 $_scs_section_size  }
0x9a: {  	s5 =	simm.s32 $_size__tile_overlayer_lowered;
	s6 =	simm.s32 $_tile_overlayer_lowered  }
0x9b: {  	s22 =	simm.s32 $0x1BFF;
	s21 =	sshll.u32 s6, $0x1;
	s3 =	sadd.s32 s4, s19  }
0x9c: {  	s7 =	simm.s32 $0x0;
	s20 =	sshll.u32 s5, $0x1;
	s5 =	sadd.s32 s21, s3  }
0x9d: {  	[timem:s7], [sflag:s22] =	dma.local [hbm:s5], s20  }
0x9e: {  	_ =	swait.ge [sflag:s22], s20  }
0x9f: {  	s4 =	ssub.s32 $0x0, s20;
	[sflag:s22] =	ssyncset.done $0x0  }
0xa0: {  	[sflag:s22] =	ssyncadd.s32 s4;
	_ =	sdelay $0x1  }
0xa1: {  	s23 =	simm.s32 $0x1B8B  }
0xa2: {  	_ =	swait.ge [sflag:s23], $0x1  }
0xa3: {  	[sflag:s23] =	ssyncset.done $0x0  }
0xa4: {  	s25 =	simm.s32 $0x1B8E;
	s24 =	sld [smem:$0x3FFE];
	[sflag:s23] =	ssyncadd.s32 $0xFFFFFFFF  }
0xa5: {  	s26 =	simm.s32 $execute0_lowered;
	[smem:$0x3FD2] =	sst s25  }
0xa6: {  	s5 =	sshll.u32 s26, $0x1;
	_ =	strace $0x80000046;
	[dreg:$0x1] =	wrdreg $0xFFFFFFFF  }
0xa7: {  	s28 =	simm.s32 $_size_execute0_lowered;
	s3 =	sadd.s32 s3, s5;
	[dreg:$0x0] =	wrdreg $0x0  }
0xa8: {  	s5 =	sshll.u32 s28, $0x1;
	[dreg:$0x2] =	wrdreg s3  }
0xa9: {  	[dreg:$0x3] =	wrdreg s5  }
0xaa: {  	[dreg:$0x4] =	wrdreg $0xC0  }
0xab: {  	_ =	task [dreg:s7], $0x5FFFF  }
0xac: {  	[dreg:$0x1] =	wrdreg $0xFFFFFFFF  }
0xad: {  	[dreg:$0x0] =	wrdreg $0x60  }
0xae: {  	[dreg:$0x2] =	wrdreg s24  }
0xaf: {  	[dreg:$0x3] =	wrdreg s2  }
0xb0: {  	[dreg:$0x4] =	wrdreg $0x9  }
0xb1: {  	_ =	task.clear_ibuf [dreg:s7], $0x5FFFF;
	_ =	strace $0x90000046  }
0xb2: {  	s29 =	simm.s32 $0x9;
	_ =	strace $0x80000048  }
0xb3: {  	_ =	swait.ge [sflag:s29], $0x1  }
0xb4: {  	[sflag:s29] =	ssyncadd.s32 $0xFFFFFFFF  }
0xb5: {  	_ =	strace $0x90000048  }
0xb6: {  	_ =	sfence  }
0xb7: {  	s30 =	sld [smem:$0x0];
	_ =	sdelay $0x2  }
0xb8: {  	s31 =	sshll.u32 s1, $0xD;
	s1 =	sshrl.u32 s1, $0x2  }
0xb9: {  	s3 =	sand.u32 $0x4000, s31;
	s1 =	sadd.s32 s1, s30  }
0xba: {  	s0 =	sor.u32 s3, s0;
	s1 =	sshll.u32 s1, $0x11  }
0xbb: {  	s0 =	sor.u32 s1, s0  }
0xbc: {  	s0 =	sadd.s32 $0x8F2B, s0  }
0xbd: {  	[sflag:s0] =	ssyncadd.remote.s32 $0x1  }
0xbe: {  	_ =	sfence.sel $0xFFFF  }
0xbf: {  	[dreg:$0x0] =	wrdreg $0xFFFFFFFF;
	(pc) =	sbr.abs _section_cstart, $3  }
0xc0: {  	[dreg:$0x1] =	wrdreg $0xFFFFFFFF  }
0xc1: {  	_ =	task.clear_ibuf [dreg:s7], $0x2FFFF;
	_ =	strace $0x9FFFFFFF  }
0xc2: {  	(tm) =	ssettm $0x7FFFFFFF  }
0xc3: {  	_ =	shalt  }
tec
execute0_lowered:
.L_overlay_start_1:
0x0: {  	(tag) =	ssettag $0x1  }
0x1: {  	s4 =	rddreg [dreg:$0x0]  }
0x2: {  	s6 =	rddreg [dreg:$0x1]  }
0x3: {  	s0 =	rddreg [dreg:$0x2]  }
0x4: {  	s3 =	srdreg.scid;
	s1 =	stileid.u32;
	s2 =	simm.s32 $0x0  }
0x5: {  	s10 =	simm.s32 $0x2;
	s11 =	simm.s32 $0x80;
	s12 =	simm.s32 $0x4200  }
0x6: {  	s13 =	simm.s32 $0x100;
	s14 =	simm.s32 $0x8200;
	s15 =	simm.s32 $0x1  }
0x7: {  	s16 =	simm.s32 $0xC280;
	s17 =	simm.s32 $0xC200;
	s18 =	simm.s32 $0x0  }
0x8: {  	s5 =	sand.u32 $0x1, s3;
	s31 =	sshll.u32 s1, $0x1;
	[smem:$0x7FF] =	sst s2  }
0x9: {  	s7 =	sor.u32 s5, s31;
	_ =	strace $0x80000047;
	s5 =	ssub.s32 $0x2, s5  }
0xa: {  	s3 =	sshll.u32 s7, $0x6;
	s9 =	sshrl.u32 s5, $0x1;
	s7 =	sshll.u32 s7, $0x4  }
0xb: {  	s8 =	sadd.s32 s3, s4;
	s3 =	sadd.s32 $0x1A00, s4;
	s4 =	sadd.s32 $0x1800, s4  }
0xc: {  	s9 =	ssub.s32 s5, s9;
	s6 =	sadd.s32 s6, s7;
	s5 =	sadd.s32 $0x1000, s8  }
0xd: {  	s7 =	smax.u32 s9, $0x1;
	s8 =	simm.s32 $0x200;
	s9 =	simm.s32 $0x4000  }
.LBB2_1:
0xe: {  	[tilespmem:s2], [sflag:$0x2] =	stream.strided.gather [hbm4b:s5+s8], $0x0, s9, s8, $0x38;
	[tilespmem:$0xC300] =	vst v63  }
0xf: {  	_ = 	snop  }
0x10: {  	[tilespmem:s2], [sflag:$0x2] =	stream.linear.gather [hbm4b:s5+s2], $0x180, $0x38;
	[tilespmem:$0xC300] =	vst v63  }
0x11: {  	_ =	swait.ge [sflag:s10], $0x180  }
0x12: {  	[sflag:s10] =	ssyncset.done $0x0  }
0x13: {  	[sflag:s10] =	ssyncadd.s32 $0xFFFFFE80  }
0x14: {  	[tilespmem:s8], [sflag:$0x1] =	stream.indirect.gather [hbm4b:s3+s11], $0x80, s2, s11, $0xb8;
	[tilespmem:$0xC300] =	vst v63  }
0x15: {  	_ = 	snop  }
0x16: {  	[tilespmem:s12], [sflag:$0x1] =	stream.indirect.gather [hbm4b:s3+s11], $0x80, s11, s11, $0xb8;
	[tilespmem:$0xC300] =	vst v63  }
0x17: {  	_ = 	snop  }
0x18: {  	[tilespmem:s14], [sflag:$0x1] =	stream.indirect.gather [hbm4b:s3+s11], $0x80, s13, s11, $0xb8;
	[tilespmem:$0xC300] =	vst v63  }
0x19: {  	_ =	swait.ge [sflag:s15], $0x4000  }
0x1a: {  	[sflag:s15] =	ssyncset.done $0x0  }
0x1b: {  	[sflag:s15] =	ssyncadd.s32 $0xFFFFC000  }
0x1c: {  	_ =	swait.ge [sflag:s15], $0x4000  }
0x1d: {  	[sflag:s15] =	ssyncset.done $0x0  }
0x1e: {  	[sflag:s15] =	ssyncadd.s32 $0xFFFFC000  }
0x1f: {  	_ =	swait.ge [sflag:s15], $0x4000  }
0x20: {  	[sflag:s15] =	ssyncset.done $0x0  }
0x21: {  	[sflag:s15] =	ssyncadd.s32 $0xFFFFC000  }
0x22: {  	[tilespmem:s16], [sflag:$0x2] =	stream.linear.gather [hbm4b:s4+s2], $0x80, $0x38;
	[tilespmem:$0xC300] =	vst v63  }
0x23: {  	_ =	swait.ge [sflag:s10], $0x80  }
0x24: {  	[sflag:s10] =	ssyncset.done $0x0  }
0x25: {  	s19 =	simm.s32 $0x0;
	[sflag:s10] =	ssyncadd.s32 $0xFFFFFF80  }
0x26: {  	v1 =	vld [tilespmem:s19+$0x580]  }
0x27: {  	v0 =	vld [tilespmem:s19+$0x500]  }
0x28: {  	v2 =	vld [tilespmem:s19+$0x480]  }
0x29: {  	v3 =	vld [tilespmem:s19+$0x400]  }
0x2a: {  	v4 =	vld [tilespmem:s19+$0x380]  }
0x2b: {  	v5 =	vld [tilespmem:s19+$0x300]  }
0x2c: {  	v6 =	vld [tilespmem:s19+$0x280]  }
0x2d: {  	v11 =	vld [tilespmem:s19+$0x200]  }
0x2e: {  	v7 =	vimm.f32 $0.0e+00;
	s20 =	simm.s32 $0x1000;
	v9 =	vimm.f32 $0.0e+00;
	v8 =	vimm.f32 $0.0e+00;
	v10 =	vld [tilespmem:s19+$0x210]  }
.LBB2_2:
0x2f: {  	p0 =	sne.s32 s20, $0x2F000;
	v12 =	vld [tilespmem:s19+$0x220]  }
0x30: {  	v13 =	vld [tilespmem:s19+$0x290]  }
0x31: {  	v14 =	vld [tilespmem:s19+$0x2A0]  }
0x32: {  	v15 =	vld [tilespmem:s19+$0x310]  }
0x33: {  	v7 =	vadd.f32 v11, v7;
	v11 =	vld [tilespmem:s19+$0x320]  }
0x34: {  	v9 =	vadd.f32 v10, v9;
	v8 =	vadd.f32 v12, v8;
	v10 =	vld [tilespmem:s19+$0x390]  }
0x35: {  	v6 =	vadd.f32 v6, v7;
	v7 =	vld [tilespmem:s19+$0x3A0]  }
0x36: {  	v9 =	vadd.f32 v13, v9;
	v8 =	vadd.f32 v14, v8;
	v12 =	vld [tilespmem:s19+$0x410]  }
0x37: {  	v5 =	vadd.f32 v5, v6;
	v6 =	vld [tilespmem:s19+$0x420]  }
0x38: {  	v9 =	vadd.f32 v15, v9;
	v8 =	vadd.f32 v11, v8;
	v11 =	vld [tilespmem:s19+$0x490]  }
0x39: {  	v4 =	vadd.f32 v4, v5;
	v5 =	vld [tilespmem:s19+$0x4A0]  }
0x3a: {  	v9 =	vadd.f32 v10, v9;
	v7 =	vadd.f32 v7, v8;
	v8 =	vld [tilespmem:s19+$0x510]  }
0x3b: {  	v3 =	vadd.f32 v3, v4;
	v4 =	vld [tilespmem:s19+$0x520]  }
0x3c: {  	v9 =	vadd.f32 v12, v9;
	v6 =	vadd.f32 v6, v7;
	v10 =	vld [tilespmem:s19+$0x590]  }
0x3d: {  	v2 =	vadd.f32 v2, v3;
	v12 =	vld [tilespmem:s19+$0x5A0];
	s19 =	sshra.s32 s20, $0x2  }
0x3e: {  	v3 =	vadd.f32 v11, v9;
	v13 =	vld [tilespmem:s19+$0x580];
	v5 =	vadd.f32 v5, v6  }
0x3f: {  	v6 =	vadd.f32 v0, v2;
	v0 =	vld [tilespmem:s19+$0x500]  }
0x40: {  	v8 =	vadd.f32 v8, v3;
	v2 =	vld [tilespmem:s19+$0x480];
	v5 =	vadd.f32 v4, v5  }
0x41: {  	v7 =	vadd.f32 v1, v6;
	v3 =	vld [tilespmem:s19+$0x400]  }
.Ltmp0:
0x42: {  	v9 =	vadd.f32 v10, v8;
	v4 =	vld [tilespmem:s19+$0x380];
	v8 =	vadd.f32 v12, v5;
	(pc) =	sbr.rel @p0 .LBB2_2-.Ltmp0, $4  }
0x43: {  	v5 =	vld [tilespmem:s19+$0x300];
	v1 =	vmov v13  }
0x44: {  	v6 =	vld [tilespmem:s19+$0x280]  }
0x45: {  	v11 =	vld [tilespmem:s19+$0x200]  }
0x46: {  	s20 =	sadd.s32 $0x1000, s20;
	v10 =	vld [tilespmem:s19+$0x210]  }
0x47: {  	v12 =	vld [tilespmem:s19+$0x220]  }
0x48: {  	v13 =	vld [tilespmem:s19+$0x290]  }
0x49: {  	v14 =	vld [tilespmem:s19+$0x2A0]  }
0x4a: {  	v15 =	vld [tilespmem:s19+$0x310]  }
0x4b: {  	v46 =	vld [tilespmem:s19+$0x320];
	v7 =	vadd.f32 v11, v7  }
0x4c: {  	v47 =	vld [tilespmem:s19+$0x390];
	v9 =	vadd.f32 v10, v9  }
0x4d: {  	v48 =	vld [tilespmem:s19+$0x3A0];
	v8 =	vadd.f32 v12, v8;
	v6 =	vadd.f32 v6, v7  }
0x4e: {  	v49 =	vld [tilespmem:s19+$0x410];
	v9 =	vadd.f32 v13, v9  }
0x4f: {  	v50 =	vld [tilespmem:s19+$0x420];
	v8 =	vadd.f32 v14, v8;
	v5 =	vadd.f32 v5, v6  }
0x50: {  	v51 =	vld [tilespmem:s19+$0x490];
	v9 =	vadd.f32 v15, v9  }
0x51: {  	v52 =	vld [tilespmem:s19+$0x4A0];
	v8 =	vadd.f32 v46, v8;
	v4 =	vadd.f32 v4, v5  }
0x52: {  	v53 =	vld [tilespmem:s19+$0x510];
	v9 =	vadd.f32 v47, v9  }
0x53: {  	v54 =	vld [tilespmem:s19+$0x520];
	v7 =	vadd.f32 v48, v8;
	v3 =	vadd.f32 v3, v4  }
0x54: {  	v56 =	vld [tilespmem:s19+$0x590];
	v55 =	vadd.f32 v49, v9  }
0x55: {  	v57 =	vld [tilespmem:s19+$0x5A0];
	v6 =	vadd.f32 v50, v7;
	v2 =	vadd.f32 v2, v3  }
0x56: {  	v59 =	vld [tilespmem:$0xC280];
	v58 =	vadd.f32 v51, v55  }
0x57: {  	v5 =	vadd.f32 v52, v6;
	v0 =	vadd.f32 v0, v2  }
0x58: {  	v60 =	vadd.f32 v53, v58  }
0x59: {  	v4 =	vadd.f32 v54, v5;
	v0 =	vadd.f32 v1, v0  }
0x5a: {  	v61 =	vadd.f32 v56, v60  }
0x5b: {  	v62 =	vadd.f32 v57, v4;
	v0 =	vmul.f32 v59, v0  }
0x5c: {  	v1 =	vmul.f32 v59, v61  }
0x5d: {  	s18 =	sadd.s32 $0x1, s18;
	[tilespmem:$0xC200] =	vst v0;
	v63 =	vmul.f32 v59, v62  }
0x5e: {  	p0 =	sne.s32 s18, s7;
	[tilespmem:$0xC210] =	vst v1  }
.Ltmp1:
0x5f: {  	[tilespmem:$0xC220] =	vst v63;
	(pc) =	sbr.rel @p0 .LBB2_1-.Ltmp1, $4  }
0x60: {  	[hbm4b:s6+s2] =	stream.linear.scatter [tilespmem:s17], [sflag:$0x2], $0x80, $0x38;
	[tilespmem:$0xC300] =	vst v63  }
0x61: {  	_ =	swait.ge [sflag:s10], $0x80  }
0x62: {  	[sflag:s10] =	ssyncset.done $0x0  }
0x63: {  	[sflag:s10] =	ssyncadd.s32 $0xFFFFFF80  }
0x64: {  	_ =	sfence.sel $0x180000  }
0x65: {  	[bflag:$0x0] =	sbarrier.arrive $0xFFFF  }
0x66: {  	p0 =	sne.s32 s1, $0x0;
	_ =	strace $0x90000047  }
0x67: {  	s0 =	sadd.s32 @!p0 $0x100000, s0;
	[bflag:$0x2] =	sbarrier.arrive $0xFFFF  }
0x68: {  	[sflag:s0] =	ssyncadd.tile.s32 @!p0 $0x1;
	_ =	shalt  }
.Lfunc_end2:
_tile_overlayer_lowered:
.L_overlay_start_2:
0x69: {  	(tag) =	ssettag $0x2  }
0x6a: {  	s0 =	rddreg [dreg:$0x0];
	s2 =	stileid.u32  }
0x6b: {  	s1 =	rddreg [dreg:$0x1];
	p0 =	sne.s32 s2, $0x0  }
0x6c: {  	s3 =	rddreg [dreg:$0x2];
	[bflag:$0x3] =	sbarrier.arrive $0xFFFF;
	s2 =	simm.s32 @!p0 $0x1C02  }
0x6d: {  	[timem:s3], [sflag:s2] =	dma.local @!p0 [hbm:s0], s1  }
0x6e: {  	s0 =	simm.s32 @!p0 $0x2  }
0x6f: {  	_ =	swait.ge @!p0 [sflag:s0], s1  }
0x70: {  	s1 =	ssub.s32 @!p0 $0x0, s1;
	[sflag:s0] =	ssyncset.done @!p0 $0x0  }
0x71: {  	[sflag:s0] =	ssyncadd.s32 @!p0 s1  }
0x72: {  	[bflag:$0x3] =	sbarrier.arrive $0xFFFF  }
0x73: {  	_ =	shalt  }

</sc_bundles>
